<compile_context>
chip_gen: v7x
topology: tpu7x:2x2x1
jax: 0.10.2.dev20260603
libtpu: 0.0.44.dev20260713+nightly
codegen_flags: <defaults>
</compile_context>

<pallas_src>
import functools

import jax
import jax.numpy as jnp
from jax import lax
from jax.experimental import pallas as pl
from jax.experimental.pallas import tpu as pltpu
from jax.experimental.pallas import tpu_sc as plsc

M = 1_000_000
N = 4_194_304
M_PAD = 1 << 20
NC = 2
NS = 16
NW = NC * NS
PER_TILE = N // NW
BLK = 8192
NBLK = PER_TILE // BLK
SEG = M_PAD // NS
ZCH = 8192


def _log_body(src_ref, out_ref):
    out_ref[...] = jnp.log(src_ref[...])


def _combine_body(inp_ref, acc_ref, out_ref):
    out_ref[...] = inp_ref[...] * jnp.exp(acc_ref[0, :] + acc_ref[1, :])


_sc_mesh = plsc.VectorSubcoreMesh(core_axis_name="c", subcore_axis_name="s")


@functools.partial(
    pl.kernel,
    mesh=_sc_mesh,
    out_type=jax.ShapeDtypeStruct((NC, M_PAD), jnp.float32),
    scratch_types=[
        pltpu.VMEM((BLK,), jnp.int32),
        pltpu.VMEM((BLK,), jnp.float32),
        pltpu.VMEM((BLK,), jnp.int32),
        pltpu.VMEM((BLK,), jnp.float32),
        pltpu.VMEM((ZCH,), jnp.float32),
        pltpu.VMEM_SHARED((M_PAD,), jnp.float32),
        pltpu.SemaphoreType.DMA,
        pltpu.SemaphoreType.DMA,
    ],
)
def _sc_scatter_add(idx_hbm, val_hbm, out_hbm, idx_v0, val_v0, idx_v1,
                    val_v1, zbuf, acc, sem0, sem1):
    c = lax.axis_index("c")
    s = lax.axis_index("s")
    wid = c * NS + s
    base = wid * PER_TILE
    sems = (sem0, sem1)
    idx_bufs = (idx_v0, idx_v1)
    val_bufs = (val_v0, val_v1)

    pending = [
        (
            pltpu.async_copy(idx_hbm.at[pl.ds(base, BLK)], idx_v0, sem0),
            pltpu.async_copy(val_hbm.at[pl.ds(base, BLK)], val_v0, sem0),
        ),
        None,
    ]

    def _zero16(i, carry):
        zbuf[pl.ds(i * 16, 16)] = jnp.zeros((16,), jnp.float32)
        return carry

    lax.fori_loop(0, ZCH // 16, _zero16, 0)
    zeroes = [
        pltpu.async_copy(zbuf, acc.at[pl.ds(s * SEG + k * ZCH, ZCH)], sem1)
        for k in range(SEG // ZCH)
    ]
    for h in zeroes:
        h.wait()
    plsc.subcore_barrier()

    for b in range(NBLK):
        cur = b % 2
        nxt = 1 - cur
        if b + 1 < NBLK:
            p1 = base + (b + 1) * BLK
            pending[nxt] = (
                pltpu.async_copy(idx_hbm.at[pl.ds(p1, BLK)], idx_bufs[nxt],
                                 sems[nxt]),
                pltpu.async_copy(val_hbm.at[pl.ds(p1, BLK)], val_bufs[nxt],
                                 sems[nxt]),
            )
        for h in pending[cur]:
            h.wait()
        pltpu.sync_copy(val_bufs[cur], acc.at[idx_bufs[cur]], add=True)
    plsc.subcore_barrier()

    for k in range(SEG // BLK):
        p = k % 2
        off = s * SEG + k * BLK
        if k >= 2:
            pending[p].wait()
        pltpu.sync_copy(acc.at[pl.ds(off, BLK)], val_bufs[p])
        pending[p] = pltpu.async_copy(val_bufs[p],
                                      out_hbm.at[c, pl.ds(off, BLK)], sems[p])
    pending[0].wait()
    pending[1].wait()


def _tc_log(src):
    bn = 524288
    return pl.pallas_call(
        _log_body,
        grid=(N // bn,),
        in_specs=[pl.BlockSpec((bn,), lambda i: (i,))],
        out_specs=pl.BlockSpec((bn,), lambda i: (i,)),
        out_shape=jax.ShapeDtypeStruct((N,), jnp.float32),
    )(src)


def _tc_combine(inp, acc):
    bm = 131072
    grid = (M + bm - 1) // bm
    return pl.pallas_call(
        _combine_body,
        grid=(grid,),
        in_specs=[
            pl.BlockSpec((bm,), lambda i: (i,)),
            pl.BlockSpec((NC, bm), lambda i: (0, i)),
        ],
        out_specs=pl.BlockSpec((bm,), lambda i: (i,)),
        out_shape=jax.ShapeDtypeStruct((M,), jnp.float32),
    )(inp, acc)


@jax.jit
def _impl(inp, idx, src):
    idx32 = idx.astype(jnp.int32)
    logsrc = _tc_log(src)
    acc = _sc_scatter_add(idx32, logsrc)
    return _tc_combine(inp, acc)


def kernel(input, index, src):
    return _impl(input, index, src)

# --- scband reference (transcript-rebuilt; emitter-appended) ---
"""Pipeline reference for scband-scatter-reduce-prod-35871566856896 (READ-ONLY COPY).

The authoritative reference and input builder live on the scoring server;
editing this copy changes nothing except your own understanding.
"""

import jax, jax.numpy as jnp
import numpy as np

M = 1000000
N = 4194304

def setup_inputs(seed: int = 0) -> dict:
    key = jax.random.key(seed)
    k1, k2, k3 = jax.random.split(key, 3)
    inp = jax.random.uniform(k1, (M,), dtype=jnp.float32)
    index = jax.random.randint(k2, (N,), 0, M, dtype=jnp.int64)
    src = jax.random.uniform(k3, (N,), dtype=jnp.float32)
    return {"input": inp, "index": index, "src": src}

def reference(input, index, src):
    # torch scatter_reduce(dim=0, reduce='prod', include_self=True):
    # out[i] = input[i] * prod_{j: index[j]==i} src[j]
    # jax scatter-mul applies all duplicate updates multiplicatively.
    return input.at[index].multiply(src)

if __name__ == "__main__":
    import jax
    _d = setup_inputs()
    print(jax.jit(kernel)(*tuple(_d.values())))

</pallas_src>

<mosaic_0001>
#map = affine_map<(d0, d1) -> (0)>
#map1 = affine_map<(d0, d1) -> (0, 0)>
module attributes {stable_mosaic.version = 14 : i64} {
  func.func @_sc_scatter_add(%arg0: i32, %arg1: i32, %arg2: memref<4194304xi32, #tpu.memory_space<hbm>>, %arg3: memref<4194304xf32, #tpu.memory_space<hbm>>, %arg4: memref<2x1048576xf32, #tpu.memory_space<hbm>>, %arg5: memref<8192xi32, #tpu.memory_space<vmem>>, %arg6: memref<8192xf32, #tpu.memory_space<vmem>>, %arg7: memref<8192xi32, #tpu.memory_space<vmem>>, %arg8: memref<8192xf32, #tpu.memory_space<vmem>>, %arg9: memref<8192xf32, #tpu.memory_space<vmem>>, %arg10: memref<1048576xf32, #tpu.memory_space<vmem_shared>>, %arg11: memref<!tpu.dma_semaphore, #tpu.memory_space<semaphore_mem>>, %arg12: memref<!tpu.dma_semaphore, #tpu.memory_space<semaphore_mem>>) attributes {dimension_semantics = [#tpu.dimension_semantics<core_parallel>, #tpu.dimension_semantics<subcore_parallel>], iteration_bounds = array<i64: 2, 16>, scalar_prefetch = 0 : i64, scratch_operands = 8 : i64, tpu.core_type = #tpu.core_type<sc_vector_subcore>, window_params = [{transform_indices = #map}, {transform_indices = #map}, {transform_indices = #map1}]} {
    %mul3A = arith.constant 16 : i32
    %mul3A_0 = arith.muli %arg0, %mul3A : i32
    %add3A = arith.addi %mul3A_0, %arg1 : i32
    %mul3A_1 = arith.constant 131072 : i32
    %mul3A_2 = arith.muli %add3A, %mul3A_1 : i32
    %dma_start3A = tpu.memref_slice %arg2[%mul3A_2] : memref<4194304xi32, #tpu.memory_space<hbm>> -> memref<8192xi32, #tpu.memory_space<hbm>>
    %dma_start3A_3 = tpu.memref_slice %arg2[%mul3A_2] : memref<4194304xi32, #tpu.memory_space<hbm>> -> memref<8192xi32, #tpu.memory_space<hbm>>
    tpu.enqueue_dma source(%dma_start3A_3 : memref<8192xi32, #tpu.memory_space<hbm>>) target(%arg5 : memref<8192xi32, #tpu.memory_space<vmem>>) target_semaphore(%arg11 : memref<!tpu.dma_semaphore, #tpu.memory_space<semaphore_mem>>)
    %dma_start3A_4 = tpu.memref_slice %arg3[%mul3A_2] : memref<4194304xf32, #tpu.memory_space<hbm>> -> memref<8192xf32, #tpu.memory_space<hbm>>
    %dma_start3A_5 = tpu.memref_slice %arg3[%mul3A_2] : memref<4194304xf32, #tpu.memory_space<hbm>> -> memref<8192xf32, #tpu.memory_space<hbm>>
    tpu.enqueue_dma source(%dma_start3A_5 : memref<8192xf32, #tpu.memory_space<hbm>>) target(%arg6 : memref<8192xf32, #tpu.memory_space<vmem>>) target_semaphore(%arg11 : memref<!tpu.dma_semaphore, #tpu.memory_space<semaphore_mem>>)
    %scan3A = arith.constant 0 : i32
    %scan3A_6 = arith.constant 0 : i32
    %scan3A_7 = arith.constant 512 : i32
    %scan3A_8 = arith.addi %scan3A_6, %scan3A_7 : i32
    %scan3A_9 = arith.constant 1 : i32
    scf.for %scan3A_325 = %scan3A_6 to %scan3A_8 step %scan3A_9  : i32 {
      %broadcast_in_dim3A = arith.constant 0.000000e+00 : f32
      %broadcast_in_dim3A_326 = vector.broadcast %broadcast_in_dim3A : f32 to vector<16xf32>
      %mul3A_327 = arith.constant 16 : i32
      %mul3A_328 = arith.muli %scan3A_325, %mul3A_327 : i32
      %swap3A = arith.index_cast %mul3A_328 : i32 to index
      %swap3A_329 = tpu.vector_load %arg9[%swap3A] {strides = array<i32>} : memref<8192xf32, #tpu.memory_space<vmem>>, vector<16xf32>,
      %swap3A_330 = vector.shape_cast %swap3A_329 : vector<16xf32> to vector<16xf32>
      %swap3A_331 = vector.shape_cast %broadcast_in_dim3A_326 : vector<16xf32> to vector<16xf32>
      tpu.vector_store %arg9[%swap3A], %swap3A_331 {strides = array<i32>} : memref<8192xf32, #tpu.memory_space<vmem>>, vector<16xf32>,
    }
    %scan3A_10 = arith.constant 512 : i32
    %mul3A_11 = arith.constant 65536 : i32
    %mul3A_12 = arith.muli %arg1, %mul3A_11 : i32
    %add3A_13 = arith.constant 0 : i32
    %add3A_14 = arith.addi %mul3A_12, %add3A_13 : i32
    %dma_start3A_15 = tpu.memref_slice %arg10[%add3A_14] : memref<1048576xf32, #tpu.memory_space<vmem_shared>> -> memref<8192xf32, #tpu.memory_space<vmem_shared>>
    %dma_start3A_16 = tpu.memref_slice %arg10[%add3A_14] : memref<1048576xf32, #tpu.memory_space<vmem_shared>> -> memref<8192xf32, #tpu.memory_space<vmem_shared>>
    tpu.enqueue_dma source(%arg9 : memref<8192xf32, #tpu.memory_space<vmem>>) target(%dma_start3A_16 : memref<8192xf32, #tpu.memory_space<vmem_shared>>) target_semaphore(%arg12 : memref<!tpu.dma_semaphore, #tpu.memory_space<semaphore_mem>>)
    %mul3A_17 = arith.constant 65536 : i32
    %mul3A_18 = arith.muli %arg1, %mul3A_17 : i32
    %add3A_19 = arith.constant 8192 : i32
    %add3A_20 = arith.addi %mul3A_18, %add3A_19 : i32
    %dma_start3A_21 = tpu.memref_slice %arg10[%add3A_20] : memref<1048576xf32, #tpu.memory_space<vmem_shared>> -> memref<8192xf32, #tpu.memory_space<vmem_shared>>
    %dma_start3A_22 = tpu.memref_slice %arg10[%add3A_20] : memref<1048576xf32, #tpu.memory_space<vmem_shared>> -> memref<8192xf32, #tpu.memory_space<vmem_shared>>
    tpu.enqueue_dma source(%arg9 : memref<8192xf32, #tpu.memory_space<vmem>>) target(%dma_start3A_22 : memref<8192xf32, #tpu.memory_space<vmem_shared>>) target_semaphore(%arg12 : memref<!tpu.dma_semaphore, #tpu.memory_space<semaphore_mem>>)
    %mul3A_23 = arith.constant 65536 : i32
    %mul3A_24 = arith.muli %arg1, %mul3A_23 : i32
    %add3A_25 = arith.constant 16384 : i32
    %add3A_26 = arith.addi %mul3A_24, %add3A_25 : i32
    %dma_start3A_27 = tpu.memref_slice %arg10[%add3A_26] : memref<1048576xf32, #tpu.memory_space<vmem_shared>> -> memref<8192xf32, #tpu.memory_space<vmem_shared>>
    %dma_start3A_28 = tpu.memref_slice %arg10[%add3A_26] : memref<1048576xf32, #tpu.memory_space<vmem_shared>> -> memref<8192xf32, #tpu.memory_space<vmem_shared>>
    tpu.enqueue_dma source(%arg9 : memref<8192xf32, #tpu.memory_space<vmem>>) target(%dma_start3A_28 : memref<8192xf32, #tpu.memory_space<vmem_shared>>) target_semaphore(%arg12 : memref<!tpu.dma_semaphore, #tpu.memory_space<semaphore_mem>>)
    %mul3A_29 = arith.constant 65536 : i32
    %mul3A_30 = arith.muli %arg1, %mul3A_29 : i32
    %add3A_31 = arith.constant 24576 : i32
    %add3A_32 = arith.addi %mul3A_30, %add3A_31 : i32
    %dma_start3A_33 = tpu.memref_slice %arg10[%add3A_32] : memref<1048576xf32, #tpu.memory_space<vmem_shared>> -> memref<8192xf32, #tpu.memory_space<vmem_shared>>
    %dma_start3A_34 = tpu.memref_slice %arg10[%add3A_32] : memref<1048576xf32, #tpu.memory_space<vmem_shared>> -> memref<8192xf32, #tpu.memory_space<vmem_shared>>
    tpu.enqueue_dma source(%arg9 : memref<8192xf32, #tpu.memory_space<vmem>>) target(%dma_start3A_34 : memref<8192xf32, #tpu.memory_space<vmem_shared>>) target_semaphore(%arg12 : memref<!tpu.dma_semaphore, #tpu.memory_space<semaphore_mem>>)
    %mul3A_35 = arith.constant 65536 : i32
    %mul3A_36 = arith.muli %arg1, %mul3A_35 : i32
    %add3A_37 = arith.constant 32768 : i32
    %add3A_38 = arith.addi %mul3A_36, %add3A_37 : i32
    %dma_start3A_39 = tpu.memref_slice %arg10[%add3A_38] : memref<1048576xf32, #tpu.memory_space<vmem_shared>> -> memref<8192xf32, #tpu.memory_space<vmem_shared>>
    %dma_start3A_40 = tpu.memref_slice %arg10[%add3A_38] : memref<1048576xf32, #tpu.memory_space<vmem_shared>> -> memref<8192xf32, #tpu.memory_space<vmem_shared>>
    tpu.enqueue_dma source(%arg9 : memref<8192xf32, #tpu.memory_space<vmem>>) target(%dma_start3A_40 : memref<8192xf32, #tpu.memory_space<vmem_shared>>) target_semaphore(%arg12 : memref<!tpu.dma_semaphore, #tpu.memory_space<semaphore_mem>>)
    %mul3A_41 = arith.constant 65536 : i32
    %mul3A_42 = arith.muli %arg1, %mul3A_41 : i32
    %add3A_43 = arith.constant 40960 : i32
    %add3A_44 = arith.addi %mul3A_42, %add3A_43 : i32
    %dma_start3A_45 = tpu.memref_slice %arg10[%add3A_44] : memref<1048576xf32, #tpu.memory_space<vmem_shared>> -> memref<8192xf32, #tpu.memory_space<vmem_shared>>
    %dma_start3A_46 = tpu.memref_slice %arg10[%add3A_44] : memref<1048576xf32, #tpu.memory_space<vmem_shared>> -> memref<8192xf32, #tpu.memory_space<vmem_shared>>
    tpu.enqueue_dma source(%arg9 : memref<8192xf32, #tpu.memory_space<vmem>>) target(%dma_start3A_46 : memref<8192xf32, #tpu.memory_space<vmem_shared>>) target_semaphore(%arg12 : memref<!tpu.dma_semaphore, #tpu.memory_space<semaphore_mem>>)
    %mul3A_47 = arith.constant 65536 : i32
    %mul3A_48 = arith.muli %arg1, %mul3A_47 : i32
    %add3A_49 = arith.constant 49152 : i32
    %add3A_50 = arith.addi %mul3A_48, %add3A_49 : i32
    %dma_start3A_51 = tpu.memref_slice %arg10[%add3A_50] : memref<1048576xf32, #tpu.memory_space<vmem_shared>> -> memref<8192xf32, #tpu.memory_space<vmem_shared>>
    %dma_start3A_52 = tpu.memref_slice %arg10[%add3A_50] : memref<1048576xf32, #tpu.memory_space<vmem_shared>> -> memref<8192xf32, #tpu.memory_space<vmem_shared>>
    tpu.enqueue_dma source(%arg9 : memref<8192xf32, #tpu.memory_space<vmem>>) target(%dma_start3A_52 : memref<8192xf32, #tpu.memory_space<vmem_shared>>) target_semaphore(%arg12 : memref<!tpu.dma_semaphore, #tpu.memory_space<semaphore_mem>>)
    %mul3A_53 = arith.constant 65536 : i32
    %mul3A_54 = arith.muli %arg1, %mul3A_53 : i32
    %add3A_55 = arith.constant 57344 : i32
    %add3A_56 = arith.addi %mul3A_54, %add3A_55 : i32
    %dma_start3A_57 = tpu.memref_slice %arg10[%add3A_56] : memref<1048576xf32, #tpu.memory_space<vmem_shared>> -> memref<8192xf32, #tpu.memory_space<vmem_shared>>
    %dma_start3A_58 = tpu.memref_slice %arg10[%add3A_56] : memref<1048576xf32, #tpu.memory_space<vmem_shared>> -> memref<8192xf32, #tpu.memory_space<vmem_shared>>
    tpu.enqueue_dma source(%arg9 : memref<8192xf32, #tpu.memory_space<vmem>>) target(%dma_start3A_58 : memref<8192xf32, #tpu.memory_space<vmem_shared>>) target_semaphore(%arg12 : memref<!tpu.dma_semaphore, #tpu.memory_space<semaphore_mem>>)
    %dma_wait3A = tpu.memref_slice %arg10[%add3A_14] : memref<1048576xf32, #tpu.memory_space<vmem_shared>> -> memref<8192xf32, #tpu.memory_space<vmem_shared>>
    %dma_wait3A_59 = tpu.memref_slice %arg10[%add3A_14] : memref<1048576xf32, #tpu.memory_space<vmem_shared>> -> memref<8192xf32, #tpu.memory_space<vmem_shared>>
    tpu.wait_dma2 semaphore(%arg12 : memref<!tpu.dma_semaphore, #tpu.memory_space<semaphore_mem>>) src(%arg9 : memref<8192xf32, #tpu.memory_space<vmem>>) dst(%dma_wait3A_59 : memref<8192xf32, #tpu.memory_space<vmem_shared>>)
    %dma_wait3A_60 = tpu.memref_slice %arg10[%add3A_20] : memref<1048576xf32, #tpu.memory_space<vmem_shared>> -> memref<8192xf32, #tpu.memory_space<vmem_shared>>
    %dma_wait3A_61 = tpu.memref_slice %arg10[%add3A_20] : memref<1048576xf32, #tpu.memory_space<vmem_shared>> -> memref<8192xf32, #tpu.memory_space<vmem_shared>>
    tpu.wait_dma2 semaphore(%arg12 : memref<!tpu.dma_semaphore, #tpu.memory_space<semaphore_mem>>) src(%arg9 : memref<8192xf32, #tpu.memory_space<vmem>>) dst(%dma_wait3A_61 : memref<8192xf32, #tpu.memory_space<vmem_shared>>)
    %dma_wait3A_62 = tpu.memref_slice %arg10[%add3A_26] : memref<1048576xf32, #tpu.memory_space<vmem_shared>> -> memref<8192xf32, #tpu.memory_space<vmem_shared>>
    %dma_wait3A_63 = tpu.memref_slice %arg10[%add3A_26] : memref<1048576xf32, #tpu.memory_space<vmem_shared>> -> memref<8192xf32, #tpu.memory_space<vmem_shared>>
    tpu.wait_dma2 semaphore(%arg12 : memref<!tpu.dma_semaphore, #tpu.memory_space<semaphore_mem>>) src(%arg9 : memref<8192xf32, #tpu.memory_space<vmem>>) dst(%dma_wait3A_63 : memref<8192xf32, #tpu.memory_space<vmem_shared>>)
    %dma_wait3A_64 = tpu.memref_slice %arg10[%add3A_32] : memref<1048576xf32, #tpu.memory_space<vmem_shared>> -> memref<8192xf32, #tpu.memory_space<vmem_shared>>
    %dma_wait3A_65 = tpu.memref_slice %arg10[%add3A_32] : memref<1048576xf32, #tpu.memory_space<vmem_shared>> -> memref<8192xf32, #tpu.memory_space<vmem_shared>>
    tpu.wait_dma2 semaphore(%arg12 : memref<!tpu.dma_semaphore, #tpu.memory_space<semaphore_mem>>) src(%arg9 : memref<8192xf32, #tpu.memory_space<vmem>>) dst(%dma_wait3A_65 : memref<8192xf32, #tpu.memory_space<vmem_shared>>)
    %dma_wait3A_66 = tpu.memref_slice %arg10[%add3A_38] : memref<1048576xf32, #tpu.memory_space<vmem_shared>> -> memref<8192xf32, #tpu.memory_space<vmem_shared>>
    %dma_wait3A_67 = tpu.memref_slice %arg10[%add3A_38] : memref<1048576xf32, #tpu.memory_space<vmem_shared>> -> memref<8192xf32, #tpu.memory_space<vmem_shared>>
    tpu.wait_dma2 semaphore(%arg12 : memref<!tpu.dma_semaphore, #tpu.memory_space<semaphore_mem>>) src(%arg9 : memref<8192xf32, #tpu.memory_space<vmem>>) dst(%dma_wait3A_67 : memref<8192xf32, #tpu.memory_space<vmem_shared>>)
    %dma_wait3A_68 = tpu.memref_slice %arg10[%add3A_44] : memref<1048576xf32, #tpu.memory_space<vmem_shared>> -> memref<8192xf32, #tpu.memory_space<vmem_shared>>
    %dma_wait3A_69 = tpu.memref_slice %arg10[%add3A_44] : memref<1048576xf32, #tpu.memory_space<vmem_shared>> -> memref<8192xf32, #tpu.memory_space<vmem_shared>>
    tpu.wait_dma2 semaphore(%arg12 : memref<!tpu.dma_semaphore, #tpu.memory_space<semaphore_mem>>) src(%arg9 : memref<8192xf32, #tpu.memory_space<vmem>>) dst(%dma_wait3A_69 : memref<8192xf32, #tpu.memory_space<vmem_shared>>)
    %dma_wait3A_70 = tpu.memref_slice %arg10[%add3A_50] : memref<1048576xf32, #tpu.memory_space<vmem_shared>> -> memref<8192xf32, #tpu.memory_space<vmem_shared>>
    %dma_wait3A_71 = tpu.memref_slice %arg10[%add3A_50] : memref<1048576xf32, #tpu.memory_space<vmem_shared>> -> memref<8192xf32, #tpu.memory_space<vmem_shared>>
    tpu.wait_dma2 semaphore(%arg12 : memref<!tpu.dma_semaphore, #tpu.memory_space<semaphore_mem>>) src(%arg9 : memref<8192xf32, #tpu.memory_space<vmem>>) dst(%dma_wait3A_71 : memref<8192xf32, #tpu.memory_space<vmem_shared>>)
    %dma_wait3A_72 = tpu.memref_slice %arg10[%add3A_56] : memref<1048576xf32, #tpu.memory_space<vmem_shared>> -> memref<8192xf32, #tpu.memory_space<vmem_shared>>
    %dma_wait3A_73 = tpu.memref_slice %arg10[%add3A_56] : memref<1048576xf32, #tpu.memory_space<vmem_shared>> -> memref<8192xf32, #tpu.memory_space<vmem_shared>>
    tpu.wait_dma2 semaphore(%arg12 : memref<!tpu.dma_semaphore, #tpu.memory_space<semaphore_mem>>) src(%arg9 : memref<8192xf32, #tpu.memory_space<vmem>>) dst(%dma_wait3A_73 : memref<8192xf32, #tpu.memory_space<vmem_shared>>)
    %barrier3A = arith.constant 0 : index
    tpu.barrier barrier_id(%barrier3A)
    %add3A_74 = arith.constant 8192 : i32
    %add3A_75 = arith.addi %mul3A_2, %add3A_74 : i32
    %dma_start3A_76 = tpu.memref_slice %arg2[%add3A_75] : memref<4194304xi32, #tpu.memory_space<hbm>> -> memref<8192xi32, #tpu.memory_space<hbm>>
    %dma_start3A_77 = tpu.memref_slice %arg2[%add3A_75] : memref<4194304xi32, #tpu.memory_space<hbm>> -> memref<8192xi32, #tpu.memory_space<hbm>>
    tpu.enqueue_dma source(%dma_start3A_77 : memref<8192xi32, #tpu.memory_space<hbm>>) target(%arg7 : memref<8192xi32, #tpu.memory_space<vmem>>) target_semaphore(%arg12 : memref<!tpu.dma_semaphore, #tpu.memory_space<semaphore_mem>>)
    %dma_start3A_78 = tpu.memref_slice %arg3[%add3A_75] : memref<4194304xf32, #tpu.memory_space<hbm>> -> memref<8192xf32, #tpu.memory_space<hbm>>
    %dma_start3A_79 = tpu.memref_slice %arg3[%add3A_75] : memref<4194304xf32, #tpu.memory_space<hbm>> -> memref<8192xf32, #tpu.memory_space<hbm>>
    tpu.enqueue_dma source(%dma_start3A_79 : memref<8192xf32, #tpu.memory_space<hbm>>) target(%arg8 : memref<8192xf32, #tpu.memory_space<vmem>>) target_semaphore(%arg12 : memref<!tpu.dma_semaphore, #tpu.memory_space<semaphore_mem>>)
    %dma_wait3A_80 = tpu.memref_slice %arg2[%mul3A_2] : memref<4194304xi32, #tpu.memory_space<hbm>> -> memref<8192xi32, #tpu.memory_space<hbm>>
    %dma_wait3A_81 = tpu.memref_slice %arg2[%mul3A_2] : memref<4194304xi32, #tpu.memory_space<hbm>> -> memref<8192xi32, #tpu.memory_space<hbm>>
    tpu.wait_dma2 semaphore(%arg11 : memref<!tpu.dma_semaphore, #tpu.memory_space<semaphore_mem>>) src(%dma_wait3A_81 : memref<8192xi32, #tpu.memory_space<hbm>>) dst(%arg5 : memref<8192xi32, #tpu.memory_space<vmem>>)
    %dma_wait3A_82 = tpu.memref_slice %arg3[%mul3A_2] : memref<4194304xf32, #tpu.memory_space<hbm>> -> memref<8192xf32, #tpu.memory_space<hbm>>
    %dma_wait3A_83 = tpu.memref_slice %arg3[%mul3A_2] : memref<4194304xf32, #tpu.memory_space<hbm>> -> memref<8192xf32, #tpu.memory_space<hbm>>
    tpu.wait_dma2 semaphore(%arg11 : memref<!tpu.dma_semaphore, #tpu.memory_space<semaphore_mem>>) src(%dma_wait3A_83 : memref<8192xf32, #tpu.memory_space<hbm>>) dst(%arg6 : memref<8192xf32, #tpu.memory_space<vmem>>)
    "tpu.region"() ({
      %run_scoped3A = tpu.sem_alloc : memref<!tpu.dma_semaphore, #tpu.memory_space<semaphore_mem>>
      %dma_start3A_325 = arith.constant 0 : i32
      %dma_start3A_326 = tpu.memref_slice %arg10[%dma_start3A_325] : memref<1048576xf32, #tpu.memory_space<vmem_shared>> -> memref<1048576xf32, #tpu.memory_space<vmem_shared>>
      tpu.enqueue_indirect_dma source(%arg6 : memref<8192xf32, #tpu.memory_space<vmem>>) target(%dma_start3A_326 : memref<1048576xf32, #tpu.memory_space<vmem_shared>>) offsets(%arg5 : memref<8192xi32, #tpu.memory_space<vmem>>) semaphore(%run_scoped3A : memref<!tpu.dma_semaphore, #tpu.memory_space<semaphore_mem>>) {add = true}
      %dma_wait3A_327 = arith.constant 0 : i32
      %dma_wait3A_328 = tpu.memref_slice %arg10[%dma_wait3A_327] : memref<1048576xf32, #tpu.memory_space<vmem_shared>> -> memref<1048576xf32, #tpu.memory_space<vmem_shared>>
      tpu.wait_indirect_dma semaphore(%run_scoped3A : memref<!tpu.dma_semaphore, #tpu.memory_space<semaphore_mem>>) src(%arg6 : memref<8192xf32, #tpu.memory_space<vmem>>) dst(%dma_wait3A_328 : memref<1048576xf32, #tpu.memory_space<vmem_shared>>)
      tpu.yield
    }) : () -> ()
    %add3A_84 = arith.constant 16384 : i32
    %add3A_85 = arith.addi %mul3A_2, %add3A_84 : i32
    %dma_start3A_86 = tpu.memref_slice %arg2[%add3A_85] : memref<4194304xi32, #tpu.memory_space<hbm>> -> memref<8192xi32, #tpu.memory_space<hbm>>
    %dma_start3A_87 = tpu.memref_slice %arg2[%add3A_85] : memref<4194304xi32, #tpu.memory_space<hbm>> -> memref<8192xi32, #tpu.memory_space<hbm>>
    tpu.enqueue_dma source(%dma_start3A_87 : memref<8192xi32, #tpu.memory_space<hbm>>) target(%arg5 : memref<8192xi32, #tpu.memory_space<vmem>>) target_semaphore(%arg11 : memref<!tpu.dma_semaphore, #tpu.memory_space<semaphore_mem>>)
    %dma_start3A_88 = tpu.memref_slice %arg3[%add3A_85] : memref<4194304xf32, #tpu.memory_space<hbm>> -> memref<8192xf32, #tpu.memory_space<hbm>>
    %dma_start3A_89 = tpu.memref_slice %arg3[%add3A_85] : memref<4194304xf32, #tpu.memory_space<hbm>> -> memref<8192xf32, #tpu.memory_space<hbm>>
    tpu.enqueue_dma source(%dma_start3A_89 : memref<8192xf32, #tpu.memory_space<hbm>>) target(%arg6 : memref<8192xf32, #tpu.memory_space<vmem>>) target_semaphore(%arg11 : memref<!tpu.dma_semaphore, #tpu.memory_space<semaphore_mem>>)
    %dma_wait3A_90 = tpu.memref_slice %arg2[%add3A_75] : memref<4194304xi32, #tpu.memory_space<hbm>> -> memref<8192xi32, #tpu.memory_space<hbm>>
    %dma_wait3A_91 = tpu.memref_slice %arg2[%add3A_75] : memref<4194304xi32, #tpu.memory_space<hbm>> -> memref<8192xi32, #tpu.memory_space<hbm>>
    tpu.wait_dma2 semaphore(%arg12 : memref<!tpu.dma_semaphore, #tpu.memory_space<semaphore_mem>>) src(%dma_wait3A_91 : memref<8192xi32, #tpu.memory_space<hbm>>) dst(%arg7 : memref<8192xi32, #tpu.memory_space<vmem>>)
    %dma_wait3A_92 = tpu.memref_slice %arg3[%add3A_75] : memref<4194304xf32, #tpu.memory_space<hbm>> -> memref<8192xf32, #tpu.memory_space<hbm>>
    %dma_wait3A_93 = tpu.memref_slice %arg3[%add3A_75] : memref<4194304xf32, #tpu.memory_space<hbm>> -> memref<8192xf32, #tpu.memory_space<hbm>>
    tpu.wait_dma2 semaphore(%arg12 : memref<!tpu.dma_semaphore, #tpu.memory_space<semaphore_mem>>) src(%dma_wait3A_93 : memref<8192xf32, #tpu.memory_space<hbm>>) dst(%arg8 : memref<8192xf32, #tpu.memory_space<vmem>>)
    "tpu.region"() ({
      %run_scoped3A = tpu.sem_alloc : memref<!tpu.dma_semaphore, #tpu.memory_space<semaphore_mem>>
      %dma_start3A_325 = arith.constant 0 : i32
      %dma_start3A_326 = tpu.memref_slice %arg10[%dma_start3A_325] : memref<1048576xf32, #tpu.memory_space<vmem_shared>> -> memref<1048576xf32, #tpu.memory_space<vmem_shared>>
      tpu.enqueue_indirect_dma source(%arg8 : memref<8192xf32, #tpu.memory_space<vmem>>) target(%dma_start3A_326 : memref<1048576xf32, #tpu.memory_space<vmem_shared>>) offsets(%arg7 : memref<8192xi32, #tpu.memory_space<vmem>>) semaphore(%run_scoped3A : memref<!tpu.dma_semaphore, #tpu.memory_space<semaphore_mem>>) {add = true}
      %dma_wait3A_327 = arith.constant 0 : i32
      %dma_wait3A_328 = tpu.memref_slice %arg10[%dma_wait3A_327] : memref<1048576xf32, #tpu.memory_space<vmem_shared>> -> memref<1048576xf32, #tpu.memory_space<vmem_shared>>
      tpu.wait_indirect_dma semaphore(%run_scoped3A : memref<!tpu.dma_semaphore, #tpu.memory_space<semaphore_mem>>) src(%arg8 : memref<8192xf32, #tpu.memory_space<vmem>>) dst(%dma_wait3A_328 : memref<1048576xf32, #tpu.memory_space<vmem_shared>>)
      tpu.yield
    }) : () -> ()
    %add3A_94 = arith.constant 24576 : i32
    %add3A_95 = arith.addi %mul3A_2, %add3A_94 : i32
    %dma_start3A_96 = tpu.memref_slice %arg2[%add3A_95] : memref<4194304xi32, #tpu.memory_space<hbm>> -> memref<8192xi32, #tpu.memory_space<hbm>>
    %dma_start3A_97 = tpu.memref_slice %arg2[%add3A_95] : memref<4194304xi32, #tpu.memory_space<hbm>> -> memref<8192xi32, #tpu.memory_space<hbm>>
    tpu.enqueue_dma source(%dma_start3A_97 : memref<8192xi32, #tpu.memory_space<hbm>>) target(%arg7 : memref<8192xi32, #tpu.memory_space<vmem>>) target_semaphore(%arg12 : memref<!tpu.dma_semaphore, #tpu.memory_space<semaphore_mem>>)
    %dma_start3A_98 = tpu.memref_slice %arg3[%add3A_95] : memref<4194304xf32, #tpu.memory_space<hbm>> -> memref<8192xf32, #tpu.memory_space<hbm>>
    %dma_start3A_99 = tpu.memref_slice %arg3[%add3A_95] : memref<4194304xf32, #tpu.memory_space<hbm>> -> memref<8192xf32, #tpu.memory_space<hbm>>
    tpu.enqueue_dma source(%dma_start3A_99 : memref<8192xf32, #tpu.memory_space<hbm>>) target(%arg8 : memref<8192xf32, #tpu.memory_space<vmem>>) target_semaphore(%arg12 : memref<!tpu.dma_semaphore, #tpu.memory_space<semaphore_mem>>)
    %dma_wait3A_100 = tpu.memref_slice %arg2[%add3A_85] : memref<4194304xi32, #tpu.memory_space<hbm>> -> memref<8192xi32, #tpu.memory_space<hbm>>
    %dma_wait3A_101 = tpu.memref_slice %arg2[%add3A_85] : memref<4194304xi32, #tpu.memory_space<hbm>> -> memref<8192xi32, #tpu.memory_space<hbm>>
    tpu.wait_dma2 semaphore(%arg11 : memref<!tpu.dma_semaphore, #tpu.memory_space<semaphore_mem>>) src(%dma_wait3A_101 : memref<8192xi32, #tpu.memory_space<hbm>>) dst(%arg5 : memref<8192xi32, #tpu.memory_space<vmem>>)
    %dma_wait3A_102 = tpu.memref_slice %arg3[%add3A_85] : memref<4194304xf32, #tpu.memory_space<hbm>> -> memref<8192xf32, #tpu.memory_space<hbm>>
    %dma_wait3A_103 = tpu.memref_slice %arg3[%add3A_85] : memref<4194304xf32, #tpu.memory_space<hbm>> -> memref<8192xf32, #tpu.memory_space<hbm>>
    tpu.wait_dma2 semaphore(%arg11 : memref<!tpu.dma_semaphore, #tpu.memory_space<semaphore_mem>>) src(%dma_wait3A_103 : memref<8192xf32, #tpu.memory_space<hbm>>) dst(%arg6 : memref<8192xf32, #tpu.memory_space<vmem>>)
    "tpu.region"() ({
      %run_scoped3A = tpu.sem_alloc : memref<!tpu.dma_semaphore, #tpu.memory_space<semaphore_mem>>
      %dma_start3A_325 = arith.constant 0 : i32
      %dma_start3A_326 = tpu.memref_slice %arg10[%dma_start3A_325] : memref<1048576xf32, #tpu.memory_space<vmem_shared>> -> memref<1048576xf32, #tpu.memory_space<vmem_shared>>
      tpu.enqueue_indirect_dma source(%arg6 : memref<8192xf32, #tpu.memory_space<vmem>>) target(%dma_start3A_326 : memref<1048576xf32, #tpu.memory_space<vmem_shared>>) offsets(%arg5 : memref<8192xi32, #tpu.memory_space<vmem>>) semaphore(%run_scoped3A : memref<!tpu.dma_semaphore, #tpu.memory_space<semaphore_mem>>) {add = true}
      %dma_wait3A_327 = arith.constant 0 : i32
      %dma_wait3A_328 = tpu.memref_slice %arg10[%dma_wait3A_327] : memref<1048576xf32, #tpu.memory_space<vmem_shared>> -> memref<1048576xf32, #tpu.memory_space<vmem_shared>>
      tpu.wait_indirect_dma semaphore(%run_scoped3A : memref<!tpu.dma_semaphore, #tpu.memory_space<semaphore_mem>>) src(%arg6 : memref<8192xf32, #tpu.memory_space<vmem>>) dst(%dma_wait3A_328 : memref<1048576xf32, #tpu.memory_space<vmem_shared>>)
      tpu.yield
    }) : () -> ()
    %add3A_104 = arith.constant 32768 : i32
    %add3A_105 = arith.addi %mul3A_2, %add3A_104 : i32
    %dma_start3A_106 = tpu.memref_slice %arg2[%add3A_105] : memref<4194304xi32, #tpu.memory_space<hbm>> -> memref<8192xi32, #tpu.memory_space<hbm>>
    %dma_start3A_107 = tpu.memref_slice %arg2[%add3A_105] : memref<4194304xi32, #tpu.memory_space<hbm>> -> memref<8192xi32, #tpu.memory_space<hbm>>
    tpu.enqueue_dma source(%dma_start3A_107 : memref<8192xi32, #tpu.memory_space<hbm>>) target(%arg5 : memref<8192xi32, #tpu.memory_space<vmem>>) target_semaphore(%arg11 : memref<!tpu.dma_semaphore, #tpu.memory_space<semaphore_mem>>)
    %dma_start3A_108 = tpu.memref_slice %arg3[%add3A_105] : memref<4194304xf32, #tpu.memory_space<hbm>> -> memref<8192xf32, #tpu.memory_space<hbm>>
    %dma_start3A_109 = tpu.memref_slice %arg3[%add3A_105] : memref<4194304xf32, #tpu.memory_space<hbm>> -> memref<8192xf32, #tpu.memory_space<hbm>>
    tpu.enqueue_dma source(%dma_start3A_109 : memref<8192xf32, #tpu.memory_space<hbm>>) target(%arg6 : memref<8192xf32, #tpu.memory_space<vmem>>) target_semaphore(%arg11 : memref<!tpu.dma_semaphore, #tpu.memory_space<semaphore_mem>>)
    %dma_wait3A_110 = tpu.memref_slice %arg2[%add3A_95] : memref<4194304xi32, #tpu.memory_space<hbm>> -> memref<8192xi32, #tpu.memory_space<hbm>>
    %dma_wait3A_111 = tpu.memref_slice %arg2[%add3A_95] : memref<4194304xi32, #tpu.memory_space<hbm>> -> memref<8192xi32, #tpu.memory_space<hbm>>
    tpu.wait_dma2 semaphore(%arg12 : memref<!tpu.dma_semaphore, #tpu.memory_space<semaphore_mem>>) src(%dma_wait3A_111 : memref<8192xi32, #tpu.memory_space<hbm>>) dst(%arg7 : memref<8192xi32, #tpu.memory_space<vmem>>)
    %dma_wait3A_112 = tpu.memref_slice %arg3[%add3A_95] : memref<4194304xf32, #tpu.memory_space<hbm>> -> memref<8192xf32, #tpu.memory_space<hbm>>
    %dma_wait3A_113 = tpu.memref_slice %arg3[%add3A_95] : memref<4194304xf32, #tpu.memory_space<hbm>> -> memref<8192xf32, #tpu.memory_space<hbm>>
    tpu.wait_dma2 semaphore(%arg12 : memref<!tpu.dma_semaphore, #tpu.memory_space<semaphore_mem>>) src(%dma_wait3A_113 : memref<8192xf32, #tpu.memory_space<hbm>>) dst(%arg8 : memref<8192xf32, #tpu.memory_space<vmem>>)
    "tpu.region"() ({
      %run_scoped3A = tpu.sem_alloc : memref<!tpu.dma_semaphore, #tpu.memory_space<semaphore_mem>>
      %dma_start3A_325 = arith.constant 0 : i32
      %dma_start3A_326 = tpu.memref_slice %arg10[%dma_start3A_325] : memref<1048576xf32, #tpu.memory_space<vmem_shared>> -> memref<1048576xf32, #tpu.memory_space<vmem_shared>>
      tpu.enqueue_indirect_dma source(%arg8 : memref<8192xf32, #tpu.memory_space<vmem>>) target(%dma_start3A_326 : memref<1048576xf32, #tpu.memory_space<vmem_shared>>) offsets(%arg7 : memref<8192xi32, #tpu.memory_space<vmem>>) semaphore(%run_scoped3A : memref<!tpu.dma_semaphore, #tpu.memory_space<semaphore_mem>>) {add = true}
      %dma_wait3A_327 = arith.constant 0 : i32
      %dma_wait3A_328 = tpu.memref_slice %arg10[%dma_wait3A_327] : memref<1048576xf32, #tpu.memory_space<vmem_shared>> -> memref<1048576xf32, #tpu.memory_space<vmem_shared>>
      tpu.wait_indirect_dma semaphore(%run_scoped3A : memref<!tpu.dma_semaphore, #tpu.memory_space<semaphore_mem>>) src(%arg8 : memref<8192xf32, #tpu.memory_space<vmem>>) dst(%dma_wait3A_328 : memref<1048576xf32, #tpu.memory_space<vmem_shared>>)
      tpu.yield
    }) : () -> ()
    %add3A_114 = arith.constant 40960 : i32
    %add3A_115 = arith.addi %mul3A_2, %add3A_114 : i32
    %dma_start3A_116 = tpu.memref_slice %arg2[%add3A_115] : memref<4194304xi32, #tpu.memory_space<hbm>> -> memref<8192xi32, #tpu.memory_space<hbm>>
    %dma_start3A_117 = tpu.memref_slice %arg2[%add3A_115] : memref<4194304xi32, #tpu.memory_space<hbm>> -> memref<8192xi32, #tpu.memory_space<hbm>>
    tpu.enqueue_dma source(%dma_start3A_117 : memref<8192xi32, #tpu.memory_space<hbm>>) target(%arg7 : memref<8192xi32, #tpu.memory_space<vmem>>) target_semaphore(%arg12 : memref<!tpu.dma_semaphore, #tpu.memory_space<semaphore_mem>>)
    %dma_start3A_118 = tpu.memref_slice %arg3[%add3A_115] : memref<4194304xf32, #tpu.memory_space<hbm>> -> memref<8192xf32, #tpu.memory_space<hbm>>
    %dma_start3A_119 = tpu.memref_slice %arg3[%add3A_115] : memref<4194304xf32, #tpu.memory_space<hbm>> -> memref<8192xf32, #tpu.memory_space<hbm>>
    tpu.enqueue_dma source(%dma_start3A_119 : memref<8192xf32, #tpu.memory_space<hbm>>) target(%arg8 : memref<8192xf32, #tpu.memory_space<vmem>>) target_semaphore(%arg12 : memref<!tpu.dma_semaphore, #tpu.memory_space<semaphore_mem>>)
    %dma_wait3A_120 = tpu.memref_slice %arg2[%add3A_105] : memref<4194304xi32, #tpu.memory_space<hbm>> -> memref<8192xi32, #tpu.memory_space<hbm>>
    %dma_wait3A_121 = tpu.memref_slice %arg2[%add3A_105] : memref<4194304xi32, #tpu.memory_space<hbm>> -> memref<8192xi32, #tpu.memory_space<hbm>>
    tpu.wait_dma2 semaphore(%arg11 : memref<!tpu.dma_semaphore, #tpu.memory_space<semaphore_mem>>) src(%dma_wait3A_121 : memref<8192xi32, #tpu.memory_space<hbm>>) dst(%arg5 : memref<8192xi32, #tpu.memory_space<vmem>>)
    %dma_wait3A_122 = tpu.memref_slice %arg3[%add3A_105] : memref<4194304xf32, #tpu.memory_space<hbm>> -> memref<8192xf32, #tpu.memory_space<hbm>>
    %dma_wait3A_123 = tpu.memref_slice %arg3[%add3A_105] : memref<4194304xf32, #tpu.memory_space<hbm>> -> memref<8192xf32, #tpu.memory_space<hbm>>
    tpu.wait_dma2 semaphore(%arg11 : memref<!tpu.dma_semaphore, #tpu.memory_space<semaphore_mem>>) src(%dma_wait3A_123 : memref<8192xf32, #tpu.memory_space<hbm>>) dst(%arg6 : memref<8192xf32, #tpu.memory_space<vmem>>)
    "tpu.region"() ({
      %run_scoped3A = tpu.sem_alloc : memref<!tpu.dma_semaphore, #tpu.memory_space<semaphore_mem>>
      %dma_start3A_325 = arith.constant 0 : i32
      %dma_start3A_326 = tpu.memref_slice %arg10[%dma_start3A_325] : memref<1048576xf32, #tpu.memory_space<vmem_shared>> -> memref<1048576xf32, #tpu.memory_space<vmem_shared>>
      tpu.enqueue_indirect_dma source(%arg6 : memref<8192xf32, #tpu.memory_space<vmem>>) target(%dma_start3A_326 : memref<1048576xf32, #tpu.memory_space<vmem_shared>>) offsets(%arg5 : memref<8192xi32, #tpu.memory_space<vmem>>) semaphore(%run_scoped3A : memref<!tpu.dma_semaphore, #tpu.memory_space<semaphore_mem>>) {add = true}
      %dma_wait3A_327 = arith.constant 0 : i32
      %dma_wait3A_328 = tpu.memref_slice %arg10[%dma_wait3A_327] : memref<1048576xf32, #tpu.memory_space<vmem_shared>> -> memref<1048576xf32, #tpu.memory_space<vmem_shared>>
      tpu.wait_indirect_dma semaphore(%run_scoped3A : memref<!tpu.dma_semaphore, #tpu.memory_space<semaphore_mem>>) src(%arg6 : memref<8192xf32, #tpu.memory_space<vmem>>) dst(%dma_wait3A_328 : memref<1048576xf32, #tpu.memory_space<vmem_shared>>)
      tpu.yield
    }) : () -> ()
    %add3A_124 = arith.constant 49152 : i32
    %add3A_125 = arith.addi %mul3A_2, %add3A_124 : i32
    %dma_start3A_126 = tpu.memref_slice %arg2[%add3A_125] : memref<4194304xi32, #tpu.memory_space<hbm>> -> memref<8192xi32, #tpu.memory_space<hbm>>
    %dma_start3A_127 = tpu.memref_slice %arg2[%add3A_125] : memref<4194304xi32, #tpu.memory_space<hbm>> -> memref<8192xi32, #tpu.memory_space<hbm>>
    tpu.enqueue_dma source(%dma_start3A_127 : memref<8192xi32, #tpu.memory_space<hbm>>) target(%arg5 : memref<8192xi32, #tpu.memory_space<vmem>>) target_semaphore(%arg11 : memref<!tpu.dma_semaphore, #tpu.memory_space<semaphore_mem>>)
    %dma_start3A_128 = tpu.memref_slice %arg3[%add3A_125] : memref<4194304xf32, #tpu.memory_space<hbm>> -> memref<8192xf32, #tpu.memory_space<hbm>>
    %dma_start3A_129 = tpu.memref_slice %arg3[%add3A_125] : memref<4194304xf32, #tpu.memory_space<hbm>> -> memref<8192xf32, #tpu.memory_space<hbm>>
    tpu.enqueue_dma source(%dma_start3A_129 : memref<8192xf32, #tpu.memory_space<hbm>>) target(%arg6 : memref<8192xf32, #tpu.memory_space<vmem>>) target_semaphore(%arg11 : memref<!tpu.dma_semaphore, #tpu.memory_space<semaphore_mem>>)
    %dma_wait3A_130 = tpu.memref_slice %arg2[%add3A_115] : memref<4194304xi32, #tpu.memory_space<hbm>> -> memref<8192xi32, #tpu.memory_space<hbm>>
    %dma_wait3A_131 = tpu.memref_slice %arg2[%add3A_115] : memref<4194304xi32, #tpu.memory_space<hbm>> -> memref<8192xi32, #tpu.memory_space<hbm>>
    tpu.wait_dma2 semaphore(%arg12 : memref<!tpu.dma_semaphore, #tpu.memory_space<semaphore_mem>>) src(%dma_wait3A_131 : memref<8192xi32, #tpu.memory_space<hbm>>) dst(%arg7 : memref<8192xi32, #tpu.memory_space<vmem>>)
    %dma_wait3A_132 = tpu.memref_slice %arg3[%add3A_115] : memref<4194304xf32, #tpu.memory_space<hbm>> -> memref<8192xf32, #tpu.memory_space<hbm>>
    %dma_wait3A_133 = tpu.memref_slice %arg3[%add3A_115] : memref<4194304xf32, #tpu.memory_space<hbm>> -> memref<8192xf32, #tpu.memory_space<hbm>>
    tpu.wait_dma2 semaphore(%arg12 : memref<!tpu.dma_semaphore, #tpu.memory_space<semaphore_mem>>) src(%dma_wait3A_133 : memref<8192xf32, #tpu.memory_space<hbm>>) dst(%arg8 : memref<8192xf32, #tpu.memory_space<vmem>>)
    "tpu.region"() ({
      %run_scoped3A = tpu.sem_alloc : memref<!tpu.dma_semaphore, #tpu.memory_space<semaphore_mem>>
      %dma_start3A_325 = arith.constant 0 : i32
      %dma_start3A_326 = tpu.memref_slice %arg10[%dma_start3A_325] : memref<1048576xf32, #tpu.memory_space<vmem_shared>> -> memref<1048576xf32, #tpu.memory_space<vmem_shared>>
      tpu.enqueue_indirect_dma source(%arg8 : memref<8192xf32, #tpu.memory_space<vmem>>) target(%dma_start3A_326 : memref<1048576xf32, #tpu.memory_space<vmem_shared>>) offsets(%arg7 : memref<8192xi32, #tpu.memory_space<vmem>>) semaphore(%run_scoped3A : memref<!tpu.dma_semaphore, #tpu.memory_space<semaphore_mem>>) {add = true}
      %dma_wait3A_327 = arith.constant 0 : i32
      %dma_wait3A_328 = tpu.memref_slice %arg10[%dma_wait3A_327] : memref<1048576xf32, #tpu.memory_space<vmem_shared>> -> memref<1048576xf32, #tpu.memory_space<vmem_shared>>
      tpu.wait_indirect_dma semaphore(%run_scoped3A : memref<!tpu.dma_semaphore, #tpu.memory_space<semaphore_mem>>) src(%arg8 : memref<8192xf32, #tpu.memory_space<vmem>>) dst(%dma_wait3A_328 : memref<1048576xf32, #tpu.memory_space<vmem_shared>>)
      tpu.yield
    }) : () -> ()
    %add3A_134 = arith.constant 57344 : i32
    %add3A_135 = arith.addi %mul3A_2, %add3A_134 : i32
    %dma_start3A_136 = tpu.memref_slice %arg2[%add3A_135] : memref<4194304xi32, #tpu.memory_space<hbm>> -> memref<8192xi32, #tpu.memory_space<hbm>>
    %dma_start3A_137 = tpu.memref_slice %arg2[%add3A_135] : memref<4194304xi32, #tpu.memory_space<hbm>> -> memref<8192xi32, #tpu.memory_space<hbm>>
    tpu.enqueue_dma source(%dma_start3A_137 : memref<8192xi32, #tpu.memory_space<hbm>>) target(%arg7 : memref<8192xi32, #tpu.memory_space<vmem>>) target_semaphore(%arg12 : memref<!tpu.dma_semaphore, #tpu.memory_space<semaphore_mem>>)
    %dma_start3A_138 = tpu.memref_slice %arg3[%add3A_135] : memref<4194304xf32, #tpu.memory_space<hbm>> -> memref<8192xf32, #tpu.memory_space<hbm>>
    %dma_start3A_139 = tpu.memref_slice %arg3[%add3A_135] : memref<4194304xf32, #tpu.memory_space<hbm>> -> memref<8192xf32, #tpu.memory_space<hbm>>
    tpu.enqueue_dma source(%dma_start3A_139 : memref<8192xf32, #tpu.memory_space<hbm>>) target(%arg8 : memref<8192xf32, #tpu.memory_space<vmem>>) target_semaphore(%arg12 : memref<!tpu.dma_semaphore, #tpu.memory_space<semaphore_mem>>)
    %dma_wait3A_140 = tpu.memref_slice %arg2[%add3A_125] : memref<4194304xi32, #tpu.memory_space<hbm>> -> memref<8192xi32, #tpu.memory_space<hbm>>
    %dma_wait3A_141 = tpu.memref_slice %arg2[%add3A_125] : memref<4194304xi32, #tpu.memory_space<hbm>> -> memref<8192xi32, #tpu.memory_space<hbm>>
    tpu.wait_dma2 semaphore(%arg11 : memref<!tpu.dma_semaphore, #tpu.memory_space<semaphore_mem>>) src(%dma_wait3A_141 : memref<8192xi32, #tpu.memory_space<hbm>>) dst(%arg5 : memref<8192xi32, #tpu.memory_space<vmem>>)
    %dma_wait3A_142 = tpu.memref_slice %arg3[%add3A_125] : memref<4194304xf32, #tpu.memory_space<hbm>> -> memref<8192xf32, #tpu.memory_space<hbm>>
    %dma_wait3A_143 = tpu.memref_slice %arg3[%add3A_125] : memref<4194304xf32, #tpu.memory_space<hbm>> -> memref<8192xf32, #tpu.memory_space<hbm>>
    tpu.wait_dma2 semaphore(%arg11 : memref<!tpu.dma_semaphore, #tpu.memory_space<semaphore_mem>>) src(%dma_wait3A_143 : memref<8192xf32, #tpu.memory_space<hbm>>) dst(%arg6 : memref<8192xf32, #tpu.memory_space<vmem>>)
    "tpu.region"() ({
      %run_scoped3A = tpu.sem_alloc : memref<!tpu.dma_semaphore, #tpu.memory_space<semaphore_mem>>
      %dma_start3A_325 = arith.constant 0 : i32
      %dma_start3A_326 = tpu.memref_slice %arg10[%dma_start3A_325] : memref<1048576xf32, #tpu.memory_space<vmem_shared>> -> memref<1048576xf32, #tpu.memory_space<vmem_shared>>
      tpu.enqueue_indirect_dma source(%arg6 : memref<8192xf32, #tpu.memory_space<vmem>>) target(%dma_start3A_326 : memref<1048576xf32, #tpu.memory_space<vmem_shared>>) offsets(%arg5 : memref<8192xi32, #tpu.memory_space<vmem>>) semaphore(%run_scoped3A : memref<!tpu.dma_semaphore, #tpu.memory_space<semaphore_mem>>) {add = true}
      %dma_wait3A_327 = arith.constant 0 : i32
      %dma_wait3A_328 = tpu.memref_slice %arg10[%dma_wait3A_327] : memref<1048576xf32, #tpu.memory_space<vmem_shared>> -> memref<1048576xf32, #tpu.memory_space<vmem_shared>>
      tpu.wait_indirect_dma semaphore(%run_scoped3A : memref<!tpu.dma_semaphore, #tpu.memory_space<semaphore_mem>>) src(%arg6 : memref<8192xf32, #tpu.memory_space<vmem>>) dst(%dma_wait3A_328 : memref<1048576xf32, #tpu.memory_space<vmem_shared>>)
      tpu.yield
    }) : () -> ()
    %add3A_144 = arith.constant 65536 : i32
    %add3A_145 = arith.addi %mul3A_2, %add3A_144 : i32
    %dma_start3A_146 = tpu.memref_slice %arg2[%add3A_145] : memref<4194304xi32, #tpu.memory_space<hbm>> -> memref<8192xi32, #tpu.memory_space<hbm>>
    %dma_start3A_147 = tpu.memref_slice %arg2[%add3A_145] : memref<4194304xi32, #tpu.memory_space<hbm>> -> memref<8192xi32, #tpu.memory_space<hbm>>
    tpu.enqueue_dma source(%dma_start3A_147 : memref<8192xi32, #tpu.memory_space<hbm>>) target(%arg5 : memref<8192xi32, #tpu.memory_space<vmem>>) target_semaphore(%arg11 : memref<!tpu.dma_semaphore, #tpu.memory_space<semaphore_mem>>)
    %dma_start3A_148 = tpu.memref_slice %arg3[%add3A_145] : memref<4194304xf32, #tpu.memory_space<hbm>> -> memref<8192xf32, #tpu.memory_space<hbm>>
    %dma_start3A_149 = tpu.memref_slice %arg3[%add3A_145] : memref<4194304xf32, #tpu.memory_space<hbm>> -> memref<8192xf32, #tpu.memory_space<hbm>>
    tpu.enqueue_dma source(%dma_start3A_149 : memref<8192xf32, #tpu.memory_space<hbm>>) target(%arg6 : memref<8192xf32, #tpu.memory_space<vmem>>) target_semaphore(%arg11 : memref<!tpu.dma_semaphore, #tpu.memory_space<semaphore_mem>>)
    %dma_wait3A_150 = tpu.memref_slice %arg2[%add3A_135] : memref<4194304xi32, #tpu.memory_space<hbm>> -> memref<8192xi32, #tpu.memory_space<hbm>>
    %dma_wait3A_151 = tpu.memref_slice %arg2[%add3A_135] : memref<4194304xi32, #tpu.memory_space<hbm>> -> memref<8192xi32, #tpu.memory_space<hbm>>
    tpu.wait_dma2 semaphore(%arg12 : memref<!tpu.dma_semaphore, #tpu.memory_space<semaphore_mem>>) src(%dma_wait3A_151 : memref<8192xi32, #tpu.memory_space<hbm>>) dst(%arg7 : memref<8192xi32, #tpu.memory_space<vmem>>)
    %dma_wait3A_152 = tpu.memref_slice %arg3[%add3A_135] : memref<4194304xf32, #tpu.memory_space<hbm>> -> memref<8192xf32, #tpu.memory_space<hbm>>
    %dma_wait3A_153 = tpu.memref_slice %arg3[%add3A_135] : memref<4194304xf32, #tpu.memory_space<hbm>> -> memref<8192xf32, #tpu.memory_space<hbm>>
    tpu.wait_dma2 semaphore(%arg12 : memref<!tpu.dma_semaphore, #tpu.memory_space<semaphore_mem>>) src(%dma_wait3A_153 : memref<8192xf32, #tpu.memory_space<hbm>>) dst(%arg8 : memref<8192xf32, #tpu.memory_space<vmem>>)
    "tpu.region"() ({
      %run_scoped3A = tpu.sem_alloc : memref<!tpu.dma_semaphore, #tpu.memory_space<semaphore_mem>>
      %dma_start3A_325 = arith.constant 0 : i32
      %dma_start3A_326 = tpu.memref_slice %arg10[%dma_start3A_325] : memref<1048576xf32, #tpu.memory_space<vmem_shared>> -> memref<1048576xf32, #tpu.memory_space<vmem_shared>>
      tpu.enqueue_indirect_dma source(%arg8 : memref<8192xf32, #tpu.memory_space<vmem>>) target(%dma_start3A_326 : memref<1048576xf32, #tpu.memory_space<vmem_shared>>) offsets(%arg7 : memref<8192xi32, #tpu.memory_space<vmem>>) semaphore(%run_scoped3A : memref<!tpu.dma_semaphore, #tpu.memory_space<semaphore_mem>>) {add = true}
      %dma_wait3A_327 = arith.constant 0 : i32
      %dma_wait3A_328 = tpu.memref_slice %arg10[%dma_wait3A_327] : memref<1048576xf32, #tpu.memory_space<vmem_shared>> -> memref<1048576xf32, #tpu.memory_space<vmem_shared>>
      tpu.wait_indirect_dma semaphore(%run_scoped3A : memref<!tpu.dma_semaphore, #tpu.memory_space<semaphore_mem>>) src(%arg8 : memref<8192xf32, #tpu.memory_space<vmem>>) dst(%dma_wait3A_328 : memref<1048576xf32, #tpu.memory_space<vmem_shared>>)
      tpu.yield
    }) : () -> ()
    %add3A_154 = arith.constant 73728 : i32
    %add3A_155 = arith.addi %mul3A_2, %add3A_154 : i32
    %dma_start3A_156 = tpu.memref_slice %arg2[%add3A_155] : memref<4194304xi32, #tpu.memory_space<hbm>> -> memref<8192xi32, #tpu.memory_space<hbm>>
    %dma_start3A_157 = tpu.memref_slice %arg2[%add3A_155] : memref<4194304xi32, #tpu.memory_space<hbm>> -> memref<8192xi32, #tpu.memory_space<hbm>>
    tpu.enqueue_dma source(%dma_start3A_157 : memref<8192xi32, #tpu.memory_space<hbm>>) target(%arg7 : memref<8192xi32, #tpu.memory_space<vmem>>) target_semaphore(%arg12 : memref<!tpu.dma_semaphore, #tpu.memory_space<semaphore_mem>>)
    %dma_start3A_158 = tpu.memref_slice %arg3[%add3A_155] : memref<4194304xf32, #tpu.memory_space<hbm>> -> memref<8192xf32, #tpu.memory_space<hbm>>
    %dma_start3A_159 = tpu.memref_slice %arg3[%add3A_155] : memref<4194304xf32, #tpu.memory_space<hbm>> -> memref<8192xf32, #tpu.memory_space<hbm>>
    tpu.enqueue_dma source(%dma_start3A_159 : memref<8192xf32, #tpu.memory_space<hbm>>) target(%arg8 : memref<8192xf32, #tpu.memory_space<vmem>>) target_semaphore(%arg12 : memref<!tpu.dma_semaphore, #tpu.memory_space<semaphore_mem>>)
    %dma_wait3A_160 = tpu.memref_slice %arg2[%add3A_145] : memref<4194304xi32, #tpu.memory_space<hbm>> -> memref<8192xi32, #tpu.memory_space<hbm>>
    %dma_wait3A_161 = tpu.memref_slice %arg2[%add3A_145] : memref<4194304xi32, #tpu.memory_space<hbm>> -> memref<8192xi32, #tpu.memory_space<hbm>>
    tpu.wait_dma2 semaphore(%arg11 : memref<!tpu.dma_semaphore, #tpu.memory_space<semaphore_mem>>) src(%dma_wait3A_161 : memref<8192xi32, #tpu.memory_space<hbm>>) dst(%arg5 : memref<8192xi32, #tpu.memory_space<vmem>>)
    %dma_wait3A_162 = tpu.memref_slice %arg3[%add3A_145] : memref<4194304xf32, #tpu.memory_space<hbm>> -> memref<8192xf32, #tpu.memory_space<hbm>>
    %dma_wait3A_163 = tpu.memref_slice %arg3[%add3A_145] : memref<4194304xf32, #tpu.memory_space<hbm>> -> memref<8192xf32, #tpu.memory_space<hbm>>
    tpu.wait_dma2 semaphore(%arg11 : memref<!tpu.dma_semaphore, #tpu.memory_space<semaphore_mem>>) src(%dma_wait3A_163 : memref<8192xf32, #tpu.memory_space<hbm>>) dst(%arg6 : memref<8192xf32, #tpu.memory_space<vmem>>)
    "tpu.region"() ({
      %run_scoped3A = tpu.sem_alloc : memref<!tpu.dma_semaphore, #tpu.memory_space<semaphore_mem>>
      %dma_start3A_325 = arith.constant 0 : i32
      %dma_start3A_326 = tpu.memref_slice %arg10[%dma_start3A_325] : memref<1048576xf32, #tpu.memory_space<vmem_shared>> -> memref<1048576xf32, #tpu.memory_space<vmem_shared>>
      tpu.enqueue_indirect_dma source(%arg6 : memref<8192xf32, #tpu.memory_space<vmem>>) target(%dma_start3A_326 : memref<1048576xf32, #tpu.memory_space<vmem_shared>>) offsets(%arg5 : memref<8192xi32, #tpu.memory_space<vmem>>) semaphore(%run_scoped3A : memref<!tpu.dma_semaphore, #tpu.memory_space<semaphore_mem>>) {add = true}
      %dma_wait3A_327 = arith.constant 0 : i32
      %dma_wait3A_328 = tpu.memref_slice %arg10[%dma_wait3A_327] : memref<1048576xf32, #tpu.memory_space<vmem_shared>> -> memref<1048576xf32, #tpu.memory_space<vmem_shared>>
      tpu.wait_indirect_dma semaphore(%run_scoped3A : memref<!tpu.dma_semaphore, #tpu.memory_space<semaphore_mem>>) src(%arg6 : memref<8192xf32, #tpu.memory_space<vmem>>) dst(%dma_wait3A_328 : memref<1048576xf32, #tpu.memory_space<vmem_shared>>)
      tpu.yield
    }) : () -> ()
    %add3A_164 = arith.constant 81920 : i32
    %add3A_165 = arith.addi %mul3A_2, %add3A_164 : i32
    %dma_start3A_166 = tpu.memref_slice %arg2[%add3A_165] : memref<4194304xi32, #tpu.memory_space<hbm>> -> memref<8192xi32, #tpu.memory_space<hbm>>
    %dma_start3A_167 = tpu.memref_slice %arg2[%add3A_165] : memref<4194304xi32, #tpu.memory_space<hbm>> -> memref<8192xi32, #tpu.memory_space<hbm>>
    tpu.enqueue_dma source(%dma_start3A_167 : memref<8192xi32, #tpu.memory_space<hbm>>) target(%arg5 : memref<8192xi32, #tpu.memory_space<vmem>>) target_semaphore(%arg11 : memref<!tpu.dma_semaphore, #tpu.memory_space<semaphore_mem>>)
    %dma_start3A_168 = tpu.memref_slice %arg3[%add3A_165] : memref<4194304xf32, #tpu.memory_space<hbm>> -> memref<8192xf32, #tpu.memory_space<hbm>>
    %dma_start3A_169 = tpu.memref_slice %arg3[%add3A_165] : memref<4194304xf32, #tpu.memory_space<hbm>> -> memref<8192xf32, #tpu.memory_space<hbm>>
    tpu.enqueue_dma source(%dma_start3A_169 : memref<8192xf32, #tpu.memory_space<hbm>>) target(%arg6 : memref<8192xf32, #tpu.memory_space<vmem>>) target_semaphore(%arg11 : memref<!tpu.dma_semaphore, #tpu.memory_space<semaphore_mem>>)
    %dma_wait3A_170 = tpu.memref_slice %arg2[%add3A_155] : memref<4194304xi32, #tpu.memory_space<hbm>> -> memref<8192xi32, #tpu.memory_space<hbm>>
    %dma_wait3A_171 = tpu.memref_slice %arg2[%add3A_155] : memref<4194304xi32, #tpu.memory_space<hbm>> -> memref<8192xi32, #tpu.memory_space<hbm>>
    tpu.wait_dma2 semaphore(%arg12 : memref<!tpu.dma_semaphore, #tpu.memory_space<semaphore_mem>>) src(%dma_wait3A_171 : memref<8192xi32, #tpu.memory_space<hbm>>) dst(%arg7 : memref<8192xi32, #tpu.memory_space<vmem>>)
    %dma_wait3A_172 = tpu.memref_slice %arg3[%add3A_155] : memref<4194304xf32, #tpu.memory_space<hbm>> -> memref<8192xf32, #tpu.memory_space<hbm>>
    %dma_wait3A_173 = tpu.memref_slice %arg3[%add3A_155] : memref<4194304xf32, #tpu.memory_space<hbm>> -> memref<8192xf32, #tpu.memory_space<hbm>>
    tpu.wait_dma2 semaphore(%arg12 : memref<!tpu.dma_semaphore, #tpu.memory_space<semaphore_mem>>) src(%dma_wait3A_173 : memref<8192xf32, #tpu.memory_space<hbm>>) dst(%arg8 : memref<8192xf32, #tpu.memory_space<vmem>>)
    "tpu.region"() ({
      %run_scoped3A = tpu.sem_alloc : memref<!tpu.dma_semaphore, #tpu.memory_space<semaphore_mem>>
      %dma_start3A_325 = arith.constant 0 : i32
      %dma_start3A_326 = tpu.memref_slice %arg10[%dma_start3A_325] : memref<1048576xf32, #tpu.memory_space<vmem_shared>> -> memref<1048576xf32, #tpu.memory_space<vmem_shared>>
      tpu.enqueue_indirect_dma source(%arg8 : memref<8192xf32, #tpu.memory_space<vmem>>) target(%dma_start3A_326 : memref<1048576xf32, #tpu.memory_space<vmem_shared>>) offsets(%arg7 : memref<8192xi32, #tpu.memory_space<vmem>>) semaphore(%run_scoped3A : memref<!tpu.dma_semaphore, #tpu.memory_space<semaphore_mem>>) {add = true}
      %dma_wait3A_327 = arith.constant 0 : i32
      %dma_wait3A_328 = tpu.memref_slice %arg10[%dma_wait3A_327] : memref<1048576xf32, #tpu.memory_space<vmem_shared>> -> memref<1048576xf32, #tpu.memory_space<vmem_shared>>
      tpu.wait_indirect_dma semaphore(%run_scoped3A : memref<!tpu.dma_semaphore, #tpu.memory_space<semaphore_mem>>) src(%arg8 : memref<8192xf32, #tpu.memory_space<vmem>>) dst(%dma_wait3A_328 : memref<1048576xf32, #tpu.memory_space<vmem_shared>>)
      tpu.yield
    }) : () -> ()
    %add3A_174 = arith.constant 90112 : i32
    %add3A_175 = arith.addi %mul3A_2, %add3A_174 : i32
    %dma_start3A_176 = tpu.memref_slice %arg2[%add3A_175] : memref<4194304xi32, #tpu.memory_space<hbm>> -> memref<8192xi32, #tpu.memory_space<hbm>>
    %dma_start3A_177 = tpu.memref_slice %arg2[%add3A_175] : memref<4194304xi32, #tpu.memory_space<hbm>> -> memref<8192xi32, #tpu.memory_space<hbm>>
    tpu.enqueue_dma source(%dma_start3A_177 : memref<8192xi32, #tpu.memory_space<hbm>>) target(%arg7 : memref<8192xi32, #tpu.memory_space<vmem>>) target_semaphore(%arg12 : memref<!tpu.dma_semaphore, #tpu.memory_space<semaphore_mem>>)
    %dma_start3A_178 = tpu.memref_slice %arg3[%add3A_175] : memref<4194304xf32, #tpu.memory_space<hbm>> -> memref<8192xf32, #tpu.memory_space<hbm>>
    %dma_start3A_179 = tpu.memref_slice %arg3[%add3A_175] : memref<4194304xf32, #tpu.memory_space<hbm>> -> memref<8192xf32, #tpu.memory_space<hbm>>
    tpu.enqueue_dma source(%dma_start3A_179 : memref<8192xf32, #tpu.memory_space<hbm>>) target(%arg8 : memref<8192xf32, #tpu.memory_space<vmem>>) target_semaphore(%arg12 : memref<!tpu.dma_semaphore, #tpu.memory_space<semaphore_mem>>)
    %dma_wait3A_180 = tpu.memref_slice %arg2[%add3A_165] : memref<4194304xi32, #tpu.memory_space<hbm>> -> memref<8192xi32, #tpu.memory_space<hbm>>
    %dma_wait3A_181 = tpu.memref_slice %arg2[%add3A_165] : memref<4194304xi32, #tpu.memory_space<hbm>> -> memref<8192xi32, #tpu.memory_space<hbm>>
    tpu.wait_dma2 semaphore(%arg11 : memref<!tpu.dma_semaphore, #tpu.memory_space<semaphore_mem>>) src(%dma_wait3A_181 : memref<8192xi32, #tpu.memory_space<hbm>>) dst(%arg5 : memref<8192xi32, #tpu.memory_space<vmem>>)
    %dma_wait3A_182 = tpu.memref_slice %arg3[%add3A_165] : memref<4194304xf32, #tpu.memory_space<hbm>> -> memref<8192xf32, #tpu.memory_space<hbm>>
    %dma_wait3A_183 = tpu.memref_slice %arg3[%add3A_165] : memref<4194304xf32, #tpu.memory_space<hbm>> -> memref<8192xf32, #tpu.memory_space<hbm>>
    tpu.wait_dma2 semaphore(%arg11 : memref<!tpu.dma_semaphore, #tpu.memory_space<semaphore_mem>>) src(%dma_wait3A_183 : memref<8192xf32, #tpu.memory_space<hbm>>) dst(%arg6 : memref<8192xf32, #tpu.memory_space<vmem>>)
    "tpu.region"() ({
      %run_scoped3A = tpu.sem_alloc : memref<!tpu.dma_semaphore, #tpu.memory_space<semaphore_mem>>
      %dma_start3A_325 = arith.constant 0 : i32
      %dma_start3A_326 = tpu.memref_slice %arg10[%dma_start3A_325] : memref<1048576xf32, #tpu.memory_space<vmem_shared>> -> memref<1048576xf32, #tpu.memory_space<vmem_shared>>
      tpu.enqueue_indirect_dma source(%arg6 : memref<8192xf32, #tpu.memory_space<vmem>>) target(%dma_start3A_326 : memref<1048576xf32, #tpu.memory_space<vmem_shared>>) offsets(%arg5 : memref<8192xi32, #tpu.memory_space<vmem>>) semaphore(%run_scoped3A : memref<!tpu.dma_semaphore, #tpu.memory_space<semaphore_mem>>) {add = true}
      %dma_wait3A_327 = arith.constant 0 : i32
      %dma_wait3A_328 = tpu.memref_slice %arg10[%dma_wait3A_327] : memref<1048576xf32, #tpu.memory_space<vmem_shared>> -> memref<1048576xf32, #tpu.memory_space<vmem_shared>>
      tpu.wait_indirect_dma semaphore(%run_scoped3A : memref<!tpu.dma_semaphore, #tpu.memory_space<semaphore_mem>>) src(%arg6 : memref<8192xf32, #tpu.memory_space<vmem>>) dst(%dma_wait3A_328 : memref<1048576xf32, #tpu.memory_space<vmem_shared>>)
      tpu.yield
    }) : () -> ()
    %add3A_184 = arith.constant 98304 : i32
    %add3A_185 = arith.addi %mul3A_2, %add3A_184 : i32
    %dma_start3A_186 = tpu.memref_slice %arg2[%add3A_185] : memref<4194304xi32, #tpu.memory_space<hbm>> -> memref<8192xi32, #tpu.memory_space<hbm>>
    %dma_start3A_187 = tpu.memref_slice %arg2[%add3A_185] : memref<4194304xi32, #tpu.memory_space<hbm>> -> memref<8192xi32, #tpu.memory_space<hbm>>
    tpu.enqueue_dma source(%dma_start3A_187 : memref<8192xi32, #tpu.memory_space<hbm>>) target(%arg5 : memref<8192xi32, #tpu.memory_space<vmem>>) target_semaphore(%arg11 : memref<!tpu.dma_semaphore, #tpu.memory_space<semaphore_mem>>)
    %dma_start3A_188 = tpu.memref_slice %arg3[%add3A_185] : memref<4194304xf32, #tpu.memory_space<hbm>> -> memref<8192xf32, #tpu.memory_space<hbm>>
    %dma_start3A_189 = tpu.memref_slice %arg3[%add3A_185] : memref<4194304xf32, #tpu.memory_space<hbm>> -> memref<8192xf32, #tpu.memory_space<hbm>>
    tpu.enqueue_dma source(%dma_start3A_189 : memref<8192xf32, #tpu.memory_space<hbm>>) target(%arg6 : memref<8192xf32, #tpu.memory_space<vmem>>) target_semaphore(%arg11 : memref<!tpu.dma_semaphore, #tpu.memory_space<semaphore_mem>>)
    %dma_wait3A_190 = tpu.memref_slice %arg2[%add3A_175] : memref<4194304xi32, #tpu.memory_space<hbm>> -> memref<8192xi32, #tpu.memory_space<hbm>>
    %dma_wait3A_191 = tpu.memref_slice %arg2[%add3A_175] : memref<4194304xi32, #tpu.memory_space<hbm>> -> memref<8192xi32, #tpu.memory_space<hbm>>
    tpu.wait_dma2 semaphore(%arg12 : memref<!tpu.dma_semaphore, #tpu.memory_space<semaphore_mem>>) src(%dma_wait3A_191 : memref<8192xi32, #tpu.memory_space<hbm>>) dst(%arg7 : memref<8192xi32, #tpu.memory_space<vmem>>)
    %dma_wait3A_192 = tpu.memref_slice %arg3[%add3A_175] : memref<4194304xf32, #tpu.memory_space<hbm>> -> memref<8192xf32, #tpu.memory_space<hbm>>
    %dma_wait3A_193 = tpu.memref_slice %arg3[%add3A_175] : memref<4194304xf32, #tpu.memory_space<hbm>> -> memref<8192xf32, #tpu.memory_space<hbm>>
    tpu.wait_dma2 semaphore(%arg12 : memref<!tpu.dma_semaphore, #tpu.memory_space<semaphore_mem>>) src(%dma_wait3A_193 : memref<8192xf32, #tpu.memory_space<hbm>>) dst(%arg8 : memref<8192xf32, #tpu.memory_space<vmem>>)
    "tpu.region"() ({
      %run_scoped3A = tpu.sem_alloc : memref<!tpu.dma_semaphore, #tpu.memory_space<semaphore_mem>>
      %dma_start3A_325 = arith.constant 0 : i32
      %dma_start3A_326 = tpu.memref_slice %arg10[%dma_start3A_325] : memref<1048576xf32, #tpu.memory_space<vmem_shared>> -> memref<1048576xf32, #tpu.memory_space<vmem_shared>>
      tpu.enqueue_indirect_dma source(%arg8 : memref<8192xf32, #tpu.memory_space<vmem>>) target(%dma_start3A_326 : memref<1048576xf32, #tpu.memory_space<vmem_shared>>) offsets(%arg7 : memref<8192xi32, #tpu.memory_space<vmem>>) semaphore(%run_scoped3A : memref<!tpu.dma_semaphore, #tpu.memory_space<semaphore_mem>>) {add = true}
      %dma_wait3A_327 = arith.constant 0 : i32
      %dma_wait3A_328 = tpu.memref_slice %arg10[%dma_wait3A_327] : memref<1048576xf32, #tpu.memory_space<vmem_shared>> -> memref<1048576xf32, #tpu.memory_space<vmem_shared>>
      tpu.wait_indirect_dma semaphore(%run_scoped3A : memref<!tpu.dma_semaphore, #tpu.memory_space<semaphore_mem>>) src(%arg8 : memref<8192xf32, #tpu.memory_space<vmem>>) dst(%dma_wait3A_328 : memref<1048576xf32, #tpu.memory_space<vmem_shared>>)
      tpu.yield
    }) : () -> ()
    %add3A_194 = arith.constant 106496 : i32
    %add3A_195 = arith.addi %mul3A_2, %add3A_194 : i32
    %dma_start3A_196 = tpu.memref_slice %arg2[%add3A_195] : memref<4194304xi32, #tpu.memory_space<hbm>> -> memref<8192xi32, #tpu.memory_space<hbm>>
    %dma_start3A_197 = tpu.memref_slice %arg2[%add3A_195] : memref<4194304xi32, #tpu.memory_space<hbm>> -> memref<8192xi32, #tpu.memory_space<hbm>>
    tpu.enqueue_dma source(%dma_start3A_197 : memref<8192xi32, #tpu.memory_space<hbm>>) target(%arg7 : memref<8192xi32, #tpu.memory_space<vmem>>) target_semaphore(%arg12 : memref<!tpu.dma_semaphore, #tpu.memory_space<semaphore_mem>>)
    %dma_start3A_198 = tpu.memref_slice %arg3[%add3A_195] : memref<4194304xf32, #tpu.memory_space<hbm>> -> memref<8192xf32, #tpu.memory_space<hbm>>
    %dma_start3A_199 = tpu.memref_slice %arg3[%add3A_195] : memref<4194304xf32, #tpu.memory_space<hbm>> -> memref<8192xf32, #tpu.memory_space<hbm>>
    tpu.enqueue_dma source(%dma_start3A_199 : memref<8192xf32, #tpu.memory_space<hbm>>) target(%arg8 : memref<8192xf32, #tpu.memory_space<vmem>>) target_semaphore(%arg12 : memref<!tpu.dma_semaphore, #tpu.memory_space<semaphore_mem>>)
    %dma_wait3A_200 = tpu.memref_slice %arg2[%add3A_185] : memref<4194304xi32, #tpu.memory_space<hbm>> -> memref<8192xi32, #tpu.memory_space<hbm>>
    %dma_wait3A_201 = tpu.memref_slice %arg2[%add3A_185] : memref<4194304xi32, #tpu.memory_space<hbm>> -> memref<8192xi32, #tpu.memory_space<hbm>>
    tpu.wait_dma2 semaphore(%arg11 : memref<!tpu.dma_semaphore, #tpu.memory_space<semaphore_mem>>) src(%dma_wait3A_201 : memref<8192xi32, #tpu.memory_space<hbm>>) dst(%arg5 : memref<8192xi32, #tpu.memory_space<vmem>>)
    %dma_wait3A_202 = tpu.memref_slice %arg3[%add3A_185] : memref<4194304xf32, #tpu.memory_space<hbm>> -> memref<8192xf32, #tpu.memory_space<hbm>>
    %dma_wait3A_203 = tpu.memref_slice %arg3[%add3A_185] : memref<4194304xf32, #tpu.memory_space<hbm>> -> memref<8192xf32, #tpu.memory_space<hbm>>
    tpu.wait_dma2 semaphore(%arg11 : memref<!tpu.dma_semaphore, #tpu.memory_space<semaphore_mem>>) src(%dma_wait3A_203 : memref<8192xf32, #tpu.memory_space<hbm>>) dst(%arg6 : memref<8192xf32, #tpu.memory_space<vmem>>)
    "tpu.region"() ({
      %run_scoped3A = tpu.sem_alloc : memref<!tpu.dma_semaphore, #tpu.memory_space<semaphore_mem>>
      %dma_start3A_325 = arith.constant 0 : i32
      %dma_start3A_326 = tpu.memref_slice %arg10[%dma_start3A_325] : memref<1048576xf32, #tpu.memory_space<vmem_shared>> -> memref<1048576xf32, #tpu.memory_space<vmem_shared>>
      tpu.enqueue_indirect_dma source(%arg6 : memref<8192xf32, #tpu.memory_space<vmem>>) target(%dma_start3A_326 : memref<1048576xf32, #tpu.memory_space<vmem_shared>>) offsets(%arg5 : memref<8192xi32, #tpu.memory_space<vmem>>) semaphore(%run_scoped3A : memref<!tpu.dma_semaphore, #tpu.memory_space<semaphore_mem>>) {add = true}
      %dma_wait3A_327 = arith.constant 0 : i32
      %dma_wait3A_328 = tpu.memref_slice %arg10[%dma_wait3A_327] : memref<1048576xf32, #tpu.memory_space<vmem_shared>> -> memref<1048576xf32, #tpu.memory_space<vmem_shared>>
      tpu.wait_indirect_dma semaphore(%run_scoped3A : memref<!tpu.dma_semaphore, #tpu.memory_space<semaphore_mem>>) src(%arg6 : memref<8192xf32, #tpu.memory_space<vmem>>) dst(%dma_wait3A_328 : memref<1048576xf32, #tpu.memory_space<vmem_shared>>)
      tpu.yield
    }) : () -> ()
    %add3A_204 = arith.constant 114688 : i32
    %add3A_205 = arith.addi %mul3A_2, %add3A_204 : i32
    %dma_start3A_206 = tpu.memref_slice %arg2[%add3A_205] : memref<4194304xi32, #tpu.memory_space<hbm>> -> memref<8192xi32, #tpu.memory_space<hbm>>
    %dma_start3A_207 = tpu.memref_slice %arg2[%add3A_205] : memref<4194304xi32, #tpu.memory_space<hbm>> -> memref<8192xi32, #tpu.memory_space<hbm>>
    tpu.enqueue_dma source(%dma_start3A_207 : memref<8192xi32, #tpu.memory_space<hbm>>) target(%arg5 : memref<8192xi32, #tpu.memory_space<vmem>>) target_semaphore(%arg11 : memref<!tpu.dma_semaphore, #tpu.memory_space<semaphore_mem>>)
    %dma_start3A_208 = tpu.memref_slice %arg3[%add3A_205] : memref<4194304xf32, #tpu.memory_space<hbm>> -> memref<8192xf32, #tpu.memory_space<hbm>>
    %dma_start3A_209 = tpu.memref_slice %arg3[%add3A_205] : memref<4194304xf32, #tpu.memory_space<hbm>> -> memref<8192xf32, #tpu.memory_space<hbm>>
    tpu.enqueue_dma source(%dma_start3A_209 : memref<8192xf32, #tpu.memory_space<hbm>>) target(%arg6 : memref<8192xf32, #tpu.memory_space<vmem>>) target_semaphore(%arg11 : memref<!tpu.dma_semaphore, #tpu.memory_space<semaphore_mem>>)
    %dma_wait3A_210 = tpu.memref_slice %arg2[%add3A_195] : memref<4194304xi32, #tpu.memory_space<hbm>> -> memref<8192xi32, #tpu.memory_space<hbm>>
    %dma_wait3A_211 = tpu.memref_slice %arg2[%add3A_195] : memref<4194304xi32, #tpu.memory_space<hbm>> -> memref<8192xi32, #tpu.memory_space<hbm>>
    tpu.wait_dma2 semaphore(%arg12 : memref<!tpu.dma_semaphore, #tpu.memory_space<semaphore_mem>>) src(%dma_wait3A_211 : memref<8192xi32, #tpu.memory_space<hbm>>) dst(%arg7 : memref<8192xi32, #tpu.memory_space<vmem>>)
    %dma_wait3A_212 = tpu.memref_slice %arg3[%add3A_195] : memref<4194304xf32, #tpu.memory_space<hbm>> -> memref<8192xf32, #tpu.memory_space<hbm>>
    %dma_wait3A_213 = tpu.memref_slice %arg3[%add3A_195] : memref<4194304xf32, #tpu.memory_space<hbm>> -> memref<8192xf32, #tpu.memory_space<hbm>>
    tpu.wait_dma2 semaphore(%arg12 : memref<!tpu.dma_semaphore, #tpu.memory_space<semaphore_mem>>) src(%dma_wait3A_213 : memref<8192xf32, #tpu.memory_space<hbm>>) dst(%arg8 : memref<8192xf32, #tpu.memory_space<vmem>>)
    "tpu.region"() ({
      %run_scoped3A = tpu.sem_alloc : memref<!tpu.dma_semaphore, #tpu.memory_space<semaphore_mem>>
      %dma_start3A_325 = arith.constant 0 : i32
      %dma_start3A_326 = tpu.memref_slice %arg10[%dma_start3A_325] : memref<1048576xf32, #tpu.memory_space<vmem_shared>> -> memref<1048576xf32, #tpu.memory_space<vmem_shared>>
      tpu.enqueue_indirect_dma source(%arg8 : memref<8192xf32, #tpu.memory_space<vmem>>) target(%dma_start3A_326 : memref<1048576xf32, #tpu.memory_space<vmem_shared>>) offsets(%arg7 : memref<8192xi32, #tpu.memory_space<vmem>>) semaphore(%run_scoped3A : memref<!tpu.dma_semaphore, #tpu.memory_space<semaphore_mem>>) {add = true}
      %dma_wait3A_327 = arith.constant 0 : i32
      %dma_wait3A_328 = tpu.memref_slice %arg10[%dma_wait3A_327] : memref<1048576xf32, #tpu.memory_space<vmem_shared>> -> memref<1048576xf32, #tpu.memory_space<vmem_shared>>
      tpu.wait_indirect_dma semaphore(%run_scoped3A : memref<!tpu.dma_semaphore, #tpu.memory_space<semaphore_mem>>) src(%arg8 : memref<8192xf32, #tpu.memory_space<vmem>>) dst(%dma_wait3A_328 : memref<1048576xf32, #tpu.memory_space<vmem_shared>>)
      tpu.yield
    }) : () -> ()
    %add3A_214 = arith.constant 122880 : i32
    %add3A_215 = arith.addi %mul3A_2, %add3A_214 : i32
    %dma_start3A_216 = tpu.memref_slice %arg2[%add3A_215] : memref<4194304xi32, #tpu.memory_space<hbm>> -> memref<8192xi32, #tpu.memory_space<hbm>>
    %dma_start3A_217 = tpu.memref_slice %arg2[%add3A_215] : memref<4194304xi32, #tpu.memory_space<hbm>> -> memref<8192xi32, #tpu.memory_space<hbm>>
    tpu.enqueue_dma source(%dma_start3A_217 : memref<8192xi32, #tpu.memory_space<hbm>>) target(%arg7 : memref<8192xi32, #tpu.memory_space<vmem>>) target_semaphore(%arg12 : memref<!tpu.dma_semaphore, #tpu.memory_space<semaphore_mem>>)
    %dma_start3A_218 = tpu.memref_slice %arg3[%add3A_215] : memref<4194304xf32, #tpu.memory_space<hbm>> -> memref<8192xf32, #tpu.memory_space<hbm>>
    %dma_start3A_219 = tpu.memref_slice %arg3[%add3A_215] : memref<4194304xf32, #tpu.memory_space<hbm>> -> memref<8192xf32, #tpu.memory_space<hbm>>
    tpu.enqueue_dma source(%dma_start3A_219 : memref<8192xf32, #tpu.memory_space<hbm>>) target(%arg8 : memref<8192xf32, #tpu.memory_space<vmem>>) target_semaphore(%arg12 : memref<!tpu.dma_semaphore, #tpu.memory_space<semaphore_mem>>)
    %dma_wait3A_220 = tpu.memref_slice %arg2[%add3A_205] : memref<4194304xi32, #tpu.memory_space<hbm>> -> memref<8192xi32, #tpu.memory_space<hbm>>
    %dma_wait3A_221 = tpu.memref_slice %arg2[%add3A_205] : memref<4194304xi32, #tpu.memory_space<hbm>> -> memref<8192xi32, #tpu.memory_space<hbm>>
    tpu.wait_dma2 semaphore(%arg11 : memref<!tpu.dma_semaphore, #tpu.memory_space<semaphore_mem>>) src(%dma_wait3A_221 : memref<8192xi32, #tpu.memory_space<hbm>>) dst(%arg5 : memref<8192xi32, #tpu.memory_space<vmem>>)
    %dma_wait3A_222 = tpu.memref_slice %arg3[%add3A_205] : memref<4194304xf32, #tpu.memory_space<hbm>> -> memref<8192xf32, #tpu.memory_space<hbm>>
    %dma_wait3A_223 = tpu.memref_slice %arg3[%add3A_205] : memref<4194304xf32, #tpu.memory_space<hbm>> -> memref<8192xf32, #tpu.memory_space<hbm>>
    tpu.wait_dma2 semaphore(%arg11 : memref<!tpu.dma_semaphore, #tpu.memory_space<semaphore_mem>>) src(%dma_wait3A_223 : memref<8192xf32, #tpu.memory_space<hbm>>) dst(%arg6 : memref<8192xf32, #tpu.memory_space<vmem>>)
    "tpu.region"() ({
      %run_scoped3A = tpu.sem_alloc : memref<!tpu.dma_semaphore, #tpu.memory_space<semaphore_mem>>
      %dma_start3A_325 = arith.constant 0 : i32
      %dma_start3A_326 = tpu.memref_slice %arg10[%dma_start3A_325] : memref<1048576xf32, #tpu.memory_space<vmem_shared>> -> memref<1048576xf32, #tpu.memory_space<vmem_shared>>
      tpu.enqueue_indirect_dma source(%arg6 : memref<8192xf32, #tpu.memory_space<vmem>>) target(%dma_start3A_326 : memref<1048576xf32, #tpu.memory_space<vmem_shared>>) offsets(%arg5 : memref<8192xi32, #tpu.memory_space<vmem>>) semaphore(%run_scoped3A : memref<!tpu.dma_semaphore, #tpu.memory_space<semaphore_mem>>) {add = true}
      %dma_wait3A_327 = arith.constant 0 : i32
      %dma_wait3A_328 = tpu.memref_slice %arg10[%dma_wait3A_327] : memref<1048576xf32, #tpu.memory_space<vmem_shared>> -> memref<1048576xf32, #tpu.memory_space<vmem_shared>>
      tpu.wait_indirect_dma semaphore(%run_scoped3A : memref<!tpu.dma_semaphore, #tpu.memory_space<semaphore_mem>>) src(%arg6 : memref<8192xf32, #tpu.memory_space<vmem>>) dst(%dma_wait3A_328 : memref<1048576xf32, #tpu.memory_space<vmem_shared>>)
      tpu.yield
    }) : () -> ()
    %dma_wait3A_224 = tpu.memref_slice %arg2[%add3A_215] : memref<4194304xi32, #tpu.memory_space<hbm>> -> memref<8192xi32, #tpu.memory_space<hbm>>
    %dma_wait3A_225 = tpu.memref_slice %arg2[%add3A_215] : memref<4194304xi32, #tpu.memory_space<hbm>> -> memref<8192xi32, #tpu.memory_space<hbm>>
    tpu.wait_dma2 semaphore(%arg12 : memref<!tpu.dma_semaphore, #tpu.memory_space<semaphore_mem>>) src(%dma_wait3A_225 : memref<8192xi32, #tpu.memory_space<hbm>>) dst(%arg7 : memref<8192xi32, #tpu.memory_space<vmem>>)
    %dma_wait3A_226 = tpu.memref_slice %arg3[%add3A_215] : memref<4194304xf32, #tpu.memory_space<hbm>> -> memref<8192xf32, #tpu.memory_space<hbm>>
    %dma_wait3A_227 = tpu.memref_slice %arg3[%add3A_215] : memref<4194304xf32, #tpu.memory_space<hbm>> -> memref<8192xf32, #tpu.memory_space<hbm>>
    tpu.wait_dma2 semaphore(%arg12 : memref<!tpu.dma_semaphore, #tpu.memory_space<semaphore_mem>>) src(%dma_wait3A_227 : memref<8192xf32, #tpu.memory_space<hbm>>) dst(%arg8 : memref<8192xf32, #tpu.memory_space<vmem>>)
    "tpu.region"() ({
      %run_scoped3A = tpu.sem_alloc : memref<!tpu.dma_semaphore, #tpu.memory_space<semaphore_mem>>
      %dma_start3A_325 = arith.constant 0 : i32
      %dma_start3A_326 = tpu.memref_slice %arg10[%dma_start3A_325] : memref<1048576xf32, #tpu.memory_space<vmem_shared>> -> memref<1048576xf32, #tpu.memory_space<vmem_shared>>
      tpu.enqueue_indirect_dma source(%arg8 : memref<8192xf32, #tpu.memory_space<vmem>>) target(%dma_start3A_326 : memref<1048576xf32, #tpu.memory_space<vmem_shared>>) offsets(%arg7 : memref<8192xi32, #tpu.memory_space<vmem>>) semaphore(%run_scoped3A : memref<!tpu.dma_semaphore, #tpu.memory_space<semaphore_mem>>) {add = true}
      %dma_wait3A_327 = arith.constant 0 : i32
      %dma_wait3A_328 = tpu.memref_slice %arg10[%dma_wait3A_327] : memref<1048576xf32, #tpu.memory_space<vmem_shared>> -> memref<1048576xf32, #tpu.memory_space<vmem_shared>>
      tpu.wait_indirect_dma semaphore(%run_scoped3A : memref<!tpu.dma_semaphore, #tpu.memory_space<semaphore_mem>>) src(%arg8 : memref<8192xf32, #tpu.memory_space<vmem>>) dst(%dma_wait3A_328 : memref<1048576xf32, #tpu.memory_space<vmem_shared>>)
      tpu.yield
    }) : () -> ()
    %barrier3A_228 = arith.constant 0 : index
    tpu.barrier barrier_id(%barrier3A_228)
    %mul3A_229 = arith.constant 65536 : i32
    %mul3A_230 = arith.muli %arg1, %mul3A_229 : i32
    %add3A_231 = arith.constant 0 : i32
    %add3A_232 = arith.addi %mul3A_230, %add3A_231 : i32
    "tpu.region"() ({
      %run_scoped3A = tpu.sem_alloc : memref<!tpu.dma_semaphore, #tpu.memory_space<semaphore_mem>>
      %dma_start3A_325 = tpu.memref_slice %arg10[%add3A_232] : memref<1048576xf32, #tpu.memory_space<vmem_shared>> -> memref<8192xf32, #tpu.memory_space<vmem_shared>>
      %dma_start3A_326 = tpu.memref_slice %arg10[%add3A_232] : memref<1048576xf32, #tpu.memory_space<vmem_shared>> -> memref<8192xf32, #tpu.memory_space<vmem_shared>>
      tpu.enqueue_dma source(%dma_start3A_326 : memref<8192xf32, #tpu.memory_space<vmem_shared>>) target(%arg6 : memref<8192xf32, #tpu.memory_space<vmem>>) target_semaphore(%run_scoped3A : memref<!tpu.dma_semaphore, #tpu.memory_space<semaphore_mem>>)
      %dma_wait3A_327 = tpu.memref_slice %arg10[%add3A_232] : memref<1048576xf32, #tpu.memory_space<vmem_shared>> -> memref<8192xf32, #tpu.memory_space<vmem_shared>>
      %dma_wait3A_328 = tpu.memref_slice %arg10[%add3A_232] : memref<1048576xf32, #tpu.memory_space<vmem_shared>> -> memref<8192xf32, #tpu.memory_space<vmem_shared>>
      tpu.wait_dma2 semaphore(%run_scoped3A : memref<!tpu.dma_semaphore, #tpu.memory_space<semaphore_mem>>) src(%dma_wait3A_328 : memref<8192xf32, #tpu.memory_space<vmem_shared>>) dst(%arg6 : memref<8192xf32, #tpu.memory_space<vmem>>)
      tpu.yield
    }) : () -> ()
    %dma_start3A_233 = tpu.memref_slice %arg4[%arg0, %add3A_232] : memref<2x1048576xf32, #tpu.memory_space<hbm>> -> memref<1x8192xf32, #tpu.memory_space<hbm>>
    %dma_start3A_234 = tpu.memref_squeeze %dma_start3A_233 : memref<1x8192xf32, #tpu.memory_space<hbm>> -> memref<8192xf32, #tpu.memory_space<hbm>>
    %dma_start3A_235 = tpu.memref_slice %arg4[%arg0, %add3A_232] : memref<2x1048576xf32, #tpu.memory_space<hbm>> -> memref<1x8192xf32, #tpu.memory_space<hbm>>
    %dma_start3A_236 = tpu.memref_squeeze %dma_start3A_235 : memref<1x8192xf32, #tpu.memory_space<hbm>> -> memref<8192xf32, #tpu.memory_space<hbm>>
    tpu.enqueue_dma source(%arg6 : memref<8192xf32, #tpu.memory_space<vmem>>) target(%dma_start3A_236 : memref<8192xf32, #tpu.memory_space<hbm>>) target_semaphore(%arg11 : memref<!tpu.dma_semaphore, #tpu.memory_space<semaphore_mem>>)
    %mul3A_237 = arith.constant 65536 : i32
    %mul3A_238 = arith.muli %arg1, %mul3A_237 : i32
    %add3A_239 = arith.constant 8192 : i32
    %add3A_240 = arith.addi %mul3A_238, %add3A_239 : i32
    "tpu.region"() ({
      %run_scoped3A = tpu.sem_alloc : memref<!tpu.dma_semaphore, #tpu.memory_space<semaphore_mem>>
      %dma_start3A_325 = tpu.memref_slice %arg10[%add3A_240] : memref<1048576xf32, #tpu.memory_space<vmem_shared>> -> memref<8192xf32, #tpu.memory_space<vmem_shared>>
      %dma_start3A_326 = tpu.memref_slice %arg10[%add3A_240] : memref<1048576xf32, #tpu.memory_space<vmem_shared>> -> memref<8192xf32, #tpu.memory_space<vmem_shared>>
      tpu.enqueue_dma source(%dma_start3A_326 : memref<8192xf32, #tpu.memory_space<vmem_shared>>) target(%arg8 : memref<8192xf32, #tpu.memory_space<vmem>>) target_semaphore(%run_scoped3A : memref<!tpu.dma_semaphore, #tpu.memory_space<semaphore_mem>>)
      %dma_wait3A_327 = tpu.memref_slice %arg10[%add3A_240] : memref<1048576xf32, #tpu.memory_space<vmem_shared>> -> memref<8192xf32, #tpu.memory_space<vmem_shared>>
      %dma_wait3A_328 = tpu.memref_slice %arg10[%add3A_240] : memref<1048576xf32, #tpu.memory_space<vmem_shared>> -> memref<8192xf32, #tpu.memory_space<vmem_shared>>
      tpu.wait_dma2 semaphore(%run_scoped3A : memref<!tpu.dma_semaphore, #tpu.memory_space<semaphore_mem>>) src(%dma_wait3A_328 : memref<8192xf32, #tpu.memory_space<vmem_shared>>) dst(%arg8 : memref<8192xf32, #tpu.memory_space<vmem>>)
      tpu.yield
    }) : () -> ()
    %dma_start3A_241 = tpu.memref_slice %arg4[%arg0, %add3A_240] : memref<2x1048576xf32, #tpu.memory_space<hbm>> -> memref<1x8192xf32, #tpu.memory_space<hbm>>
    %dma_start3A_242 = tpu.memref_squeeze %dma_start3A_241 : memref<1x8192xf32, #tpu.memory_space<hbm>> -> memref<8192xf32, #tpu.memory_space<hbm>>
    %dma_start3A_243 = tpu.memref_slice %arg4[%arg0, %add3A_240] : memref<2x1048576xf32, #tpu.memory_space<hbm>> -> memref<1x8192xf32, #tpu.memory_space<hbm>>
    %dma_start3A_244 = tpu.memref_squeeze %dma_start3A_243 : memref<1x8192xf32, #tpu.memory_space<hbm>> -> memref<8192xf32, #tpu.memory_space<hbm>>
    tpu.enqueue_dma source(%arg8 : memref<8192xf32, #tpu.memory_space<vmem>>) target(%dma_start3A_244 : memref<8192xf32, #tpu.memory_space<hbm>>) target_semaphore(%arg12 : memref<!tpu.dma_semaphore, #tpu.memory_space<semaphore_mem>>)
    %mul3A_245 = arith.constant 65536 : i32
    %mul3A_246 = arith.muli %arg1, %mul3A_245 : i32
    %add3A_247 = arith.constant 16384 : i32
    %add3A_248 = arith.addi %mul3A_246, %add3A_247 : i32
    %dma_wait3A_249 = tpu.memref_slice %arg4[%arg0, %add3A_232] : memref<2x1048576xf32, #tpu.memory_space<hbm>> -> memref<1x8192xf32, #tpu.memory_space<hbm>>
    %dma_wait3A_250 = tpu.memref_squeeze %dma_wait3A_249 : memref<1x8192xf32, #tpu.memory_space<hbm>> -> memref<8192xf32, #tpu.memory_space<hbm>>
    %dma_wait3A_251 = tpu.memref_slice %arg4[%arg0, %add3A_232] : memref<2x1048576xf32, #tpu.memory_space<hbm>> -> memref<1x8192xf32, #tpu.memory_space<hbm>>
    %dma_wait3A_252 = tpu.memref_squeeze %dma_wait3A_251 : memref<1x8192xf32, #tpu.memory_space<hbm>> -> memref<8192xf32, #tpu.memory_space<hbm>>
    tpu.wait_dma2 semaphore(%arg11 : memref<!tpu.dma_semaphore, #tpu.memory_space<semaphore_mem>>) src(%arg6 : memref<8192xf32, #tpu.memory_space<vmem>>) dst(%dma_wait3A_252 : memref<8192xf32, #tpu.memory_space<hbm>>)
    "tpu.region"() ({
      %run_scoped3A = tpu.sem_alloc : memref<!tpu.dma_semaphore, #tpu.memory_space<semaphore_mem>>
      %dma_start3A_325 = tpu.memref_slice %arg10[%add3A_248] : memref<1048576xf32, #tpu.memory_space<vmem_shared>> -> memref<8192xf32, #tpu.memory_space<vmem_shared>>
      %dma_start3A_326 = tpu.memref_slice %arg10[%add3A_248] : memref<1048576xf32, #tpu.memory_space<vmem_shared>> -> memref<8192xf32, #tpu.memory_space<vmem_shared>>
      tpu.enqueue_dma source(%dma_start3A_326 : memref<8192xf32, #tpu.memory_space<vmem_shared>>) target(%arg6 : memref<8192xf32, #tpu.memory_space<vmem>>) target_semaphore(%run_scoped3A : memref<!tpu.dma_semaphore, #tpu.memory_space<semaphore_mem>>)
      %dma_wait3A_327 = tpu.memref_slice %arg10[%add3A_248] : memref<1048576xf32, #tpu.memory_space<vmem_shared>> -> memref<8192xf32, #tpu.memory_space<vmem_shared>>
      %dma_wait3A_328 = tpu.memref_slice %arg10[%add3A_248] : memref<1048576xf32, #tpu.memory_space<vmem_shared>> -> memref<8192xf32, #tpu.memory_space<vmem_shared>>
      tpu.wait_dma2 semaphore(%run_scoped3A : memref<!tpu.dma_semaphore, #tpu.memory_space<semaphore_mem>>) src(%dma_wait3A_328 : memref<8192xf32, #tpu.memory_space<vmem_shared>>) dst(%arg6 : memref<8192xf32, #tpu.memory_space<vmem>>)
      tpu.yield
    }) : () -> ()
    %dma_start3A_253 = tpu.memref_slice %arg4[%arg0, %add3A_248] : memref<2x1048576xf32, #tpu.memory_space<hbm>> -> memref<1x8192xf32, #tpu.memory_space<hbm>>
    %dma_start3A_254 = tpu.memref_squeeze %dma_start3A_253 : memref<1x8192xf32, #tpu.memory_space<hbm>> -> memref<8192xf32, #tpu.memory_space<hbm>>
    %dma_start3A_255 = tpu.memref_slice %arg4[%arg0, %add3A_248] : memref<2x1048576xf32, #tpu.memory_space<hbm>> -> memref<1x8192xf32, #tpu.memory_space<hbm>>
    %dma_start3A_256 = tpu.memref_squeeze %dma_start3A_255 : memref<1x8192xf32, #tpu.memory_space<hbm>> -> memref<8192xf32, #tpu.memory_space<hbm>>
    tpu.enqueue_dma source(%arg6 : memref<8192xf32, #tpu.memory_space<vmem>>) target(%dma_start3A_256 : memref<8192xf32, #tpu.memory_space<hbm>>) target_semaphore(%arg11 : memref<!tpu.dma_semaphore, #tpu.memory_space<semaphore_mem>>)
    %mul3A_257 = arith.constant 65536 : i32
    %mul3A_258 = arith.muli %arg1, %mul3A_257 : i32
    %add3A_259 = arith.constant 24576 : i32
    %add3A_260 = arith.addi %mul3A_258, %add3A_259 : i32
    %dma_wait3A_261 = tpu.memref_slice %arg4[%arg0, %add3A_240] : memref<2x1048576xf32, #tpu.memory_space<hbm>> -> memref<1x8192xf32, #tpu.memory_space<hbm>>
    %dma_wait3A_262 = tpu.memref_squeeze %dma_wait3A_261 : memref<1x8192xf32, #tpu.memory_space<hbm>> -> memref<8192xf32, #tpu.memory_space<hbm>>
    %dma_wait3A_263 = tpu.memref_slice %arg4[%arg0, %add3A_240] : memref<2x1048576xf32, #tpu.memory_space<hbm>> -> memref<1x8192xf32, #tpu.memory_space<hbm>>
    %dma_wait3A_264 = tpu.memref_squeeze %dma_wait3A_263 : memref<1x8192xf32, #tpu.memory_space<hbm>> -> memref<8192xf32, #tpu.memory_space<hbm>>
    tpu.wait_dma2 semaphore(%arg12 : memref<!tpu.dma_semaphore, #tpu.memory_space<semaphore_mem>>) src(%arg8 : memref<8192xf32, #tpu.memory_space<vmem>>) dst(%dma_wait3A_264 : memref<8192xf32, #tpu.memory_space<hbm>>)
    "tpu.region"() ({
      %run_scoped3A = tpu.sem_alloc : memref<!tpu.dma_semaphore, #tpu.memory_space<semaphore_mem>>
      %dma_start3A_325 = tpu.memref_slice %arg10[%add3A_260] : memref<1048576xf32, #tpu.memory_space<vmem_shared>> -> memref<8192xf32, #tpu.memory_space<vmem_shared>>
      %dma_start3A_326 = tpu.memref_slice %arg10[%add3A_260] : memref<1048576xf32, #tpu.memory_space<vmem_shared>> -> memref<8192xf32, #tpu.memory_space<vmem_shared>>
      tpu.enqueue_dma source(%dma_start3A_326 : memref<8192xf32, #tpu.memory_space<vmem_shared>>) target(%arg8 : memref<8192xf32, #tpu.memory_space<vmem>>) target_semaphore(%run_scoped3A : memref<!tpu.dma_semaphore, #tpu.memory_space<semaphore_mem>>)
      %dma_wait3A_327 = tpu.memref_slice %arg10[%add3A_260] : memref<1048576xf32, #tpu.memory_space<vmem_shared>> -> memref<8192xf32, #tpu.memory_space<vmem_shared>>
      %dma_wait3A_328 = tpu.memref_slice %arg10[%add3A_260] : memref<1048576xf32, #tpu.memory_space<vmem_shared>> -> memref<8192xf32, #tpu.memory_space<vmem_shared>>
      tpu.wait_dma2 semaphore(%run_scoped3A : memref<!tpu.dma_semaphore, #tpu.memory_space<semaphore_mem>>) src(%dma_wait3A_328 : memref<8192xf32, #tpu.memory_space<vmem_shared>>) dst(%arg8 : memref<8192xf32, #tpu.memory_space<vmem>>)
      tpu.yield
    }) : () -> ()
    %dma_start3A_265 = tpu.memref_slice %arg4[%arg0, %add3A_260] : memref<2x1048576xf32, #tpu.memory_space<hbm>> -> memref<1x8192xf32, #tpu.memory_space<hbm>>
    %dma_start3A_266 = tpu.memref_squeeze %dma_start3A_265 : memref<1x8192xf32, #tpu.memory_space<hbm>> -> memref<8192xf32, #tpu.memory_space<hbm>>
    %dma_start3A_267 = tpu.memref_slice %arg4[%arg0, %add3A_260] : memref<2x1048576xf32, #tpu.memory_space<hbm>> -> memref<1x8192xf32, #tpu.memory_space<hbm>>
    %dma_start3A_268 = tpu.memref_squeeze %dma_start3A_267 : memref<1x8192xf32, #tpu.memory_space<hbm>> -> memref<8192xf32, #tpu.memory_space<hbm>>
    tpu.enqueue_dma source(%arg8 : memref<8192xf32, #tpu.memory_space<vmem>>) target(%dma_start3A_268 : memref<8192xf32, #tpu.memory_space<hbm>>) target_semaphore(%arg12 : memref<!tpu.dma_semaphore, #tpu.memory_space<semaphore_mem>>)
    %mul3A_269 = arith.constant 65536 : i32
    %mul3A_270 = arith.muli %arg1, %mul3A_269 : i32
    %add3A_271 = arith.constant 32768 : i32
    %add3A_272 = arith.addi %mul3A_270, %add3A_271 : i32
    %dma_wait3A_273 = tpu.memref_slice %arg4[%arg0, %add3A_248] : memref<2x1048576xf32, #tpu.memory_space<hbm>> -> memref<1x8192xf32, #tpu.memory_space<hbm>>
    %dma_wait3A_274 = tpu.memref_squeeze %dma_wait3A_273 : memref<1x8192xf32, #tpu.memory_space<hbm>> -> memref<8192xf32, #tpu.memory_space<hbm>>
    %dma_wait3A_275 = tpu.memref_slice %arg4[%arg0, %add3A_248] : memref<2x1048576xf32, #tpu.memory_space<hbm>> -> memref<1x8192xf32, #tpu.memory_space<hbm>>
    %dma_wait3A_276 = tpu.memref_squeeze %dma_wait3A_275 : memref<1x8192xf32, #tpu.memory_space<hbm>> -> memref<8192xf32, #tpu.memory_space<hbm>>
    tpu.wait_dma2 semaphore(%arg11 : memref<!tpu.dma_semaphore, #tpu.memory_space<semaphore_mem>>) src(%arg6 : memref<8192xf32, #tpu.memory_space<vmem>>) dst(%dma_wait3A_276 : memref<8192xf32, #tpu.memory_space<hbm>>)
    "tpu.region"() ({
      %run_scoped3A = tpu.sem_alloc : memref<!tpu.dma_semaphore, #tpu.memory_space<semaphore_mem>>
      %dma_start3A_325 = tpu.memref_slice %arg10[%add3A_272] : memref<1048576xf32, #tpu.memory_space<vmem_shared>> -> memref<8192xf32, #tpu.memory_space<vmem_shared>>
      %dma_start3A_326 = tpu.memref_slice %arg10[%add3A_272] : memref<1048576xf32, #tpu.memory_space<vmem_shared>> -> memref<8192xf32, #tpu.memory_space<vmem_shared>>
      tpu.enqueue_dma source(%dma_start3A_326 : memref<8192xf32, #tpu.memory_space<vmem_shared>>) target(%arg6 : memref<8192xf32, #tpu.memory_space<vmem>>) target_semaphore(%run_scoped3A : memref<!tpu.dma_semaphore, #tpu.memory_space<semaphore_mem>>)
      %dma_wait3A_327 = tpu.memref_slice %arg10[%add3A_272] : memref<1048576xf32, #tpu.memory_space<vmem_shared>> -> memref<8192xf32, #tpu.memory_space<vmem_shared>>
      %dma_wait3A_328 = tpu.memref_slice %arg10[%add3A_272] : memref<1048576xf32, #tpu.memory_space<vmem_shared>> -> memref<8192xf32, #tpu.memory_space<vmem_shared>>
      tpu.wait_dma2 semaphore(%run_scoped3A : memref<!tpu.dma_semaphore, #tpu.memory_space<semaphore_mem>>) src(%dma_wait3A_328 : memref<8192xf32, #tpu.memory_space<vmem_shared>>) dst(%arg6 : memref<8192xf32, #tpu.memory_space<vmem>>)
      tpu.yield
    }) : () -> ()
    %dma_start3A_277 = tpu.memref_slice %arg4[%arg0, %add3A_272] : memref<2x1048576xf32, #tpu.memory_space<hbm>> -> memref<1x8192xf32, #tpu.memory_space<hbm>>
    %dma_start3A_278 = tpu.memref_squeeze %dma_start3A_277 : memref<1x8192xf32, #tpu.memory_space<hbm>> -> memref<8192xf32, #tpu.memory_space<hbm>>
    %dma_start3A_279 = tpu.memref_slice %arg4[%arg0, %add3A_272] : memref<2x1048576xf32, #tpu.memory_space<hbm>> -> memref<1x8192xf32, #tpu.memory_space<hbm>>
    %dma_start3A_280 = tpu.memref_squeeze %dma_start3A_279 : memref<1x8192xf32, #tpu.memory_space<hbm>> -> memref<8192xf32, #tpu.memory_space<hbm>>
    tpu.enqueue_dma source(%arg6 : memref<8192xf32, #tpu.memory_space<vmem>>) target(%dma_start3A_280 : memref<8192xf32, #tpu.memory_space<hbm>>) target_semaphore(%arg11 : memref<!tpu.dma_semaphore, #tpu.memory_space<semaphore_mem>>)
    %mul3A_281 = arith.constant 65536 : i32
    %mul3A_282 = arith.muli %arg1, %mul3A_281 : i32
    %add3A_283 = arith.constant 40960 : i32
    %add3A_284 = arith.addi %mul3A_282, %add3A_283 : i32
    %dma_wait3A_285 = tpu.memref_slice %arg4[%arg0, %add3A_260] : memref<2x1048576xf32, #tpu.memory_space<hbm>> -> memref<1x8192xf32, #tpu.memory_space<hbm>>
    %dma_wait3A_286 = tpu.memref_squeeze %dma_wait3A_285 : memref<1x8192xf32, #tpu.memory_space<hbm>> -> memref<8192xf32, #tpu.memory_space<hbm>>
    %dma_wait3A_287 = tpu.memref_slice %arg4[%arg0, %add3A_260] : memref<2x1048576xf32, #tpu.memory_space<hbm>> -> memref<1x8192xf32, #tpu.memory_space<hbm>>
    %dma_wait3A_288 = tpu.memref_squeeze %dma_wait3A_287 : memref<1x8192xf32, #tpu.memory_space<hbm>> -> memref<8192xf32, #tpu.memory_space<hbm>>
    tpu.wait_dma2 semaphore(%arg12 : memref<!tpu.dma_semaphore, #tpu.memory_space<semaphore_mem>>) src(%arg8 : memref<8192xf32, #tpu.memory_space<vmem>>) dst(%dma_wait3A_288 : memref<8192xf32, #tpu.memory_space<hbm>>)
    "tpu.region"() ({
      %run_scoped3A = tpu.sem_alloc : memref<!tpu.dma_semaphore, #tpu.memory_space<semaphore_mem>>
      %dma_start3A_325 = tpu.memref_slice %arg10[%add3A_284] : memref<1048576xf32, #tpu.memory_space<vmem_shared>> -> memref<8192xf32, #tpu.memory_space<vmem_shared>>
      %dma_start3A_326 = tpu.memref_slice %arg10[%add3A_284] : memref<1048576xf32, #tpu.memory_space<vmem_shared>> -> memref<8192xf32, #tpu.memory_space<vmem_shared>>
      tpu.enqueue_dma source(%dma_start3A_326 : memref<8192xf32, #tpu.memory_space<vmem_shared>>) target(%arg8 : memref<8192xf32, #tpu.memory_space<vmem>>) target_semaphore(%run_scoped3A : memref<!tpu.dma_semaphore, #tpu.memory_space<semaphore_mem>>)
      %dma_wait3A_327 = tpu.memref_slice %arg10[%add3A_284] : memref<1048576xf32, #tpu.memory_space<vmem_shared>> -> memref<8192xf32, #tpu.memory_space<vmem_shared>>
      %dma_wait3A_328 = tpu.memref_slice %arg10[%add3A_284] : memref<1048576xf32, #tpu.memory_space<vmem_shared>> -> memref<8192xf32, #tpu.memory_space<vmem_shared>>
      tpu.wait_dma2 semaphore(%run_scoped3A : memref<!tpu.dma_semaphore, #tpu.memory_space<semaphore_mem>>) src(%dma_wait3A_328 : memref<8192xf32, #tpu.memory_space<vmem_shared>>) dst(%arg8 : memref<8192xf32, #tpu.memory_space<vmem>>)
      tpu.yield
    }) : () -> ()
    %dma_start3A_289 = tpu.memref_slice %arg4[%arg0, %add3A_284] : memref<2x1048576xf32, #tpu.memory_space<hbm>> -> memref<1x8192xf32, #tpu.memory_space<hbm>>
    %dma_start3A_290 = tpu.memref_squeeze %dma_start3A_289 : memref<1x8192xf32, #tpu.memory_space<hbm>> -> memref<8192xf32, #tpu.memory_space<hbm>>
    %dma_start3A_291 = tpu.memref_slice %arg4[%arg0, %add3A_284] : memref<2x1048576xf32, #tpu.memory_space<hbm>> -> memref<1x8192xf32, #tpu.memory_space<hbm>>
    %dma_start3A_292 = tpu.memref_squeeze %dma_start3A_291 : memref<1x8192xf32, #tpu.memory_space<hbm>> -> memref<8192xf32, #tpu.memory_space<hbm>>
    tpu.enqueue_dma source(%arg8 : memref<8192xf32, #tpu.memory_space<vmem>>) target(%dma_start3A_292 : memref<8192xf32, #tpu.memory_space<hbm>>) target_semaphore(%arg12 : memref<!tpu.dma_semaphore, #tpu.memory_space<semaphore_mem>>)
    %mul3A_293 = arith.constant 65536 : i32
    %mul3A_294 = arith.muli %arg1, %mul3A_293 : i32
    %add3A_295 = arith.constant 49152 : i32
    %add3A_296 = arith.addi %mul3A_294, %add3A_295 : i32
    %dma_wait3A_297 = tpu.memref_slice %arg4[%arg0, %add3A_272] : memref<2x1048576xf32, #tpu.memory_space<hbm>> -> memref<1x8192xf32, #tpu.memory_space<hbm>>
    %dma_wait3A_298 = tpu.memref_squeeze %dma_wait3A_297 : memref<1x8192xf32, #tpu.memory_space<hbm>> -> memref<8192xf32, #tpu.memory_space<hbm>>
    %dma_wait3A_299 = tpu.memref_slice %arg4[%arg0, %add3A_272] : memref<2x1048576xf32, #tpu.memory_space<hbm>> -> memref<1x8192xf32, #tpu.memory_space<hbm>>
    %dma_wait3A_300 = tpu.memref_squeeze %dma_wait3A_299 : memref<1x8192xf32, #tpu.memory_space<hbm>> -> memref<8192xf32, #tpu.memory_space<hbm>>
    tpu.wait_dma2 semaphore(%arg11 : memref<!tpu.dma_semaphore, #tpu.memory_space<semaphore_mem>>) src(%arg6 : memref<8192xf32, #tpu.memory_space<vmem>>) dst(%dma_wait3A_300 : memref<8192xf32, #tpu.memory_space<hbm>>)
    "tpu.region"() ({
      %run_scoped3A = tpu.sem_alloc : memref<!tpu.dma_semaphore, #tpu.memory_space<semaphore_mem>>
      %dma_start3A_325 = tpu.memref_slice %arg10[%add3A_296] : memref<1048576xf32, #tpu.memory_space<vmem_shared>> -> memref<8192xf32, #tpu.memory_space<vmem_shared>>
      %dma_start3A_326 = tpu.memref_slice %arg10[%add3A_296] : memref<1048576xf32, #tpu.memory_space<vmem_shared>> -> memref<8192xf32, #tpu.memory_space<vmem_shared>>
      tpu.enqueue_dma source(%dma_start3A_326 : memref<8192xf32, #tpu.memory_space<vmem_shared>>) target(%arg6 : memref<8192xf32, #tpu.memory_space<vmem>>) target_semaphore(%run_scoped3A : memref<!tpu.dma_semaphore, #tpu.memory_space<semaphore_mem>>)
      %dma_wait3A_327 = tpu.memref_slice %arg10[%add3A_296] : memref<1048576xf32, #tpu.memory_space<vmem_shared>> -> memref<8192xf32, #tpu.memory_space<vmem_shared>>
      %dma_wait3A_328 = tpu.memref_slice %arg10[%add3A_296] : memref<1048576xf32, #tpu.memory_space<vmem_shared>> -> memref<8192xf32, #tpu.memory_space<vmem_shared>>
      tpu.wait_dma2 semaphore(%run_scoped3A : memref<!tpu.dma_semaphore, #tpu.memory_space<semaphore_mem>>) src(%dma_wait3A_328 : memref<8192xf32, #tpu.memory_space<vmem_shared>>) dst(%arg6 : memref<8192xf32, #tpu.memory_space<vmem>>)
      tpu.yield
    }) : () -> ()
    %dma_start3A_301 = tpu.memref_slice %arg4[%arg0, %add3A_296] : memref<2x1048576xf32, #tpu.memory_space<hbm>> -> memref<1x8192xf32, #tpu.memory_space<hbm>>
    %dma_start3A_302 = tpu.memref_squeeze %dma_start3A_301 : memref<1x8192xf32, #tpu.memory_space<hbm>> -> memref<8192xf32, #tpu.memory_space<hbm>>
    %dma_start3A_303 = tpu.memref_slice %arg4[%arg0, %add3A_296] : memref<2x1048576xf32, #tpu.memory_space<hbm>> -> memref<1x8192xf32, #tpu.memory_space<hbm>>
    %dma_start3A_304 = tpu.memref_squeeze %dma_start3A_303 : memref<1x8192xf32, #tpu.memory_space<hbm>> -> memref<8192xf32, #tpu.memory_space<hbm>>
    tpu.enqueue_dma source(%arg6 : memref<8192xf32, #tpu.memory_space<vmem>>) target(%dma_start3A_304 : memref<8192xf32, #tpu.memory_space<hbm>>) target_semaphore(%arg11 : memref<!tpu.dma_semaphore, #tpu.memory_space<semaphore_mem>>)
    %mul3A_305 = arith.constant 65536 : i32
    %mul3A_306 = arith.muli %arg1, %mul3A_305 : i32
    %add3A_307 = arith.constant 57344 : i32
    %add3A_308 = arith.addi %mul3A_306, %add3A_307 : i32
    %dma_wait3A_309 = tpu.memref_slice %arg4[%arg0, %add3A_284] : memref<2x1048576xf32, #tpu.memory_space<hbm>> -> memref<1x8192xf32, #tpu.memory_space<hbm>>
    %dma_wait3A_310 = tpu.memref_squeeze %dma_wait3A_309 : memref<1x8192xf32, #tpu.memory_space<hbm>> -> memref<8192xf32, #tpu.memory_space<hbm>>
    %dma_wait3A_311 = tpu.memref_slice %arg4[%arg0, %add3A_284] : memref<2x1048576xf32, #tpu.memory_space<hbm>> -> memref<1x8192xf32, #tpu.memory_space<hbm>>
    %dma_wait3A_312 = tpu.memref_squeeze %dma_wait3A_311 : memref<1x8192xf32, #tpu.memory_space<hbm>> -> memref<8192xf32, #tpu.memory_space<hbm>>
    tpu.wait_dma2 semaphore(%arg12 : memref<!tpu.dma_semaphore, #tpu.memory_space<semaphore_mem>>) src(%arg8 : memref<8192xf32, #tpu.memory_space<vmem>>) dst(%dma_wait3A_312 : memref<8192xf32, #tpu.memory_space<hbm>>)
    "tpu.region"() ({
      %run_scoped3A = tpu.sem_alloc : memref<!tpu.dma_semaphore, #tpu.memory_space<semaphore_mem>>
      %dma_start3A_325 = tpu.memref_slice %arg10[%add3A_308] : memref<1048576xf32, #tpu.memory_space<vmem_shared>> -> memref<8192xf32, #tpu.memory_space<vmem_shared>>
      %dma_start3A_326 = tpu.memref_slice %arg10[%add3A_308] : memref<1048576xf32, #tpu.memory_space<vmem_shared>> -> memref<8192xf32, #tpu.memory_space<vmem_shared>>
      tpu.enqueue_dma source(%dma_start3A_326 : memref<8192xf32, #tpu.memory_space<vmem_shared>>) target(%arg8 : memref<8192xf32, #tpu.memory_space<vmem>>) target_semaphore(%run_scoped3A : memref<!tpu.dma_semaphore, #tpu.memory_space<semaphore_mem>>)
      %dma_wait3A_327 = tpu.memref_slice %arg10[%add3A_308] : memref<1048576xf32, #tpu.memory_space<vmem_shared>> -> memref<8192xf32, #tpu.memory_space<vmem_shared>>
      %dma_wait3A_328 = tpu.memref_slice %arg10[%add3A_308] : memref<1048576xf32, #tpu.memory_space<vmem_shared>> -> memref<8192xf32, #tpu.memory_space<vmem_shared>>
      tpu.wait_dma2 semaphore(%run_scoped3A : memref<!tpu.dma_semaphore, #tpu.memory_space<semaphore_mem>>) src(%dma_wait3A_328 : memref<8192xf32, #tpu.memory_space<vmem_shared>>) dst(%arg8 : memref<8192xf32, #tpu.memory_space<vmem>>)
      tpu.yield
    }) : () -> ()
    %dma_start3A_313 = tpu.memref_slice %arg4[%arg0, %add3A_308] : memref<2x1048576xf32, #tpu.memory_space<hbm>> -> memref<1x8192xf32, #tpu.memory_space<hbm>>
    %dma_start3A_314 = tpu.memref_squeeze %dma_start3A_313 : memref<1x8192xf32, #tpu.memory_space<hbm>> -> memref<8192xf32, #tpu.memory_space<hbm>>
    %dma_start3A_315 = tpu.memref_slice %arg4[%arg0, %add3A_308] : memref<2x1048576xf32, #tpu.memory_space<hbm>> -> memref<1x8192xf32, #tpu.memory_space<hbm>>
    %dma_start3A_316 = tpu.memref_squeeze %dma_start3A_315 : memref<1x8192xf32, #tpu.memory_space<hbm>> -> memref<8192xf32, #tpu.memory_space<hbm>>
    tpu.enqueue_dma source(%arg8 : memref<8192xf32, #tpu.memory_space<vmem>>) target(%dma_start3A_316 : memref<8192xf32, #tpu.memory_space<hbm>>) target_semaphore(%arg12 : memref<!tpu.dma_semaphore, #tpu.memory_space<semaphore_mem>>)
    %dma_wait3A_317 = tpu.memref_slice %arg4[%arg0, %add3A_296] : memref<2x1048576xf32, #tpu.memory_space<hbm>> -> memref<1x8192xf32, #tpu.memory_space<hbm>>
    %dma_wait3A_318 = tpu.memref_squeeze %dma_wait3A_317 : memref<1x8192xf32, #tpu.memory_space<hbm>> -> memref<8192xf32, #tpu.memory_space<hbm>>
    %dma_wait3A_319 = tpu.memref_slice %arg4[%arg0, %add3A_296] : memref<2x1048576xf32, #tpu.memory_space<hbm>> -> memref<1x8192xf32, #tpu.memory_space<hbm>>
    %dma_wait3A_320 = tpu.memref_squeeze %dma_wait3A_319 : memref<1x8192xf32, #tpu.memory_space<hbm>> -> memref<8192xf32, #tpu.memory_space<hbm>>
    tpu.wait_dma2 semaphore(%arg11 : memref<!tpu.dma_semaphore, #tpu.memory_space<semaphore_mem>>) src(%arg6 : memref<8192xf32, #tpu.memory_space<vmem>>) dst(%dma_wait3A_320 : memref<8192xf32, #tpu.memory_space<hbm>>)
    %dma_wait3A_321 = tpu.memref_slice %arg4[%arg0, %add3A_308] : memref<2x1048576xf32, #tpu.memory_space<hbm>> -> memref<1x8192xf32, #tpu.memory_space<hbm>>
    %dma_wait3A_322 = tpu.memref_squeeze %dma_wait3A_321 : memref<1x8192xf32, #tpu.memory_space<hbm>> -> memref<8192xf32, #tpu.memory_space<hbm>>
    %dma_wait3A_323 = tpu.memref_slice %arg4[%arg0, %add3A_308] : memref<2x1048576xf32, #tpu.memory_space<hbm>> -> memref<1x8192xf32, #tpu.memory_space<hbm>>
    %dma_wait3A_324 = tpu.memref_squeeze %dma_wait3A_323 : memref<1x8192xf32, #tpu.memory_space<hbm>> -> memref<8192xf32, #tpu.memory_space<hbm>>
    tpu.wait_dma2 semaphore(%arg12 : memref<!tpu.dma_semaphore, #tpu.memory_space<semaphore_mem>>) src(%arg8 : memref<8192xf32, #tpu.memory_space<vmem>>) dst(%dma_wait3A_324 : memref<8192xf32, #tpu.memory_space<hbm>>)
    return
  }
}

module attributes {stable_mosaic.version = 14 : i64} {
  func.func @_combine_body(%arg0: i32, %arg1: memref<131072xf32, #tpu.memory_space<vmem>>, %arg2: memref<2x131072xf32, #tpu.memory_space<vmem>>, %arg3: memref<131072xf32, #tpu.memory_space<vmem>>) attributes {dimension_semantics = [#tpu.dimension_semantics<arbitrary>], iteration_bounds = array<i64: 8>, scalar_prefetch = 0 : i64, scratch_operands = 0 : i64, tpu.core_type = #tpu.core_type<tc>, window_params = [{transform_indices = @transform_0, window_bounds = array<i64: 131072>}, {transform_indices = @transform_1, window_bounds = array<i64: 2, 131072>}, {transform_indices = @transform_2, window_bounds = array<i64: 131072>}]} {
    %get3A = arith.constant 0 : index
    %get3A_0 = vector.load %arg1[%get3A] : memref<131072xf32, #tpu.memory_space<vmem>>, vector<131072xf32>
    %get3A_1 = arith.constant 0 : index
    %get3A_2 = arith.constant 0 : index
    %get3A_3 = vector.load %arg2[%get3A_1, %get3A_2] : memref<2x131072xf32, #tpu.memory_space<vmem>>, vector<1x131072xf32>
    %get3A_4 = vector.shape_cast %get3A_3 : vector<1x131072xf32> to vector<131072xf32>
    %get3A_5 = arith.constant 1 : index
    %get3A_6 = arith.constant 0 : index
    %get3A_7 = vector.load %arg2[%get3A_5, %get3A_6] : memref<2x131072xf32, #tpu.memory_space<vmem>>, vector<1x131072xf32>
    %get3A_8 = vector.shape_cast %get3A_7 : vector<1x131072xf32> to vector<131072xf32>
    %add3A = arith.addf %get3A_4, %get3A_8 : vector<131072xf32>
    %exp3A = math.exp %add3A : vector<131072xf32>
    %mul3A = arith.mulf %get3A_0, %exp3A : vector<131072xf32>
    %swap3A = arith.constant 0 : index
    %swap3A_9 = vector.load %arg3[%swap3A] : memref<131072xf32, #tpu.memory_space<vmem>>, vector<131072xf32>
    tpu.vector_store %arg3[%swap3A], %mul3A {strides = array<i32>} : memref<131072xf32, #tpu.memory_space<vmem>>, vector<131072xf32>,
    return
  }
  func.func @transform_0(%arg0: i32) -> i32 {
    %c0_i32 = arith.constant 0 : i32
    return %arg0 : i32
  }
  func.func @transform_1(%arg0: i32) -> (i32, i32) {
    %c0_i32 = arith.constant 0 : i32
    %c0_i32_0 = arith.constant 0 : i32
    return %c0_i32, %arg0 : i32, i32
  }
  func.func @transform_2(%arg0: i32) -> i32 {
    %c0_i32 = arith.constant 0 : i32
    return %arg0 : i32
  }
}

module attributes {stable_mosaic.version = 14 : i64} {
  func.func @_log_body(%arg0: i32, %arg1: memref<524288xf32, #tpu.memory_space<vmem>>, %arg2: memref<524288xf32, #tpu.memory_space<vmem>>) attributes {dimension_semantics = [#tpu.dimension_semantics<arbitrary>], iteration_bounds = array<i64: 8>, scalar_prefetch = 0 : i64, scratch_operands = 0 : i64, tpu.core_type = #tpu.core_type<tc>, window_params = [{transform_indices = @transform_0, window_bounds = array<i64: 524288>}, {transform_indices = @transform_1, window_bounds = array<i64: 524288>}]} {
    %get3A = arith.constant 0 : index
    %get3A_0 = vector.load %arg1[%get3A] : memref<524288xf32, #tpu.memory_space<vmem>>, vector<524288xf32>
    %log3A = math.log %get3A_0 : vector<524288xf32>
    %swap3A = arith.constant 0 : index
    %swap3A_1 = vector.load %arg2[%swap3A] : memref<524288xf32, #tpu.memory_space<vmem>>, vector<524288xf32>
    tpu.vector_store %arg2[%swap3A], %log3A {strides = array<i32>} : memref<524288xf32, #tpu.memory_space<vmem>>, vector<524288xf32>,
    return
  }
  func.func @transform_0(%arg0: i32) -> i32 {
    %c0_i32 = arith.constant 0 : i32
    return %arg0 : i32
  }
  func.func @transform_1(%arg0: i32) -> i32 {
    %c0_i32 = arith.constant 0 : i32
    return %arg0 : i32
  }
}

</mosaic_0001>

<sc_bundles>
// kernel: _impl.5.cloned.1.call-start
scs
__scs_entry_jumppad:
0x0: {  	(pc) =	sbr.rel $0x88, $3  }
0x1: {  	(tag) =	ssettag $0x0;
	lr =	simm.s32 $0x1  }
0x2: {  	[smem:$0x3F9E] =	sst lr;
	_ =	strace $0xD0000000  }
0x3: {  	_ = 	snop  }
0x4: {  	_ = 	snop  }
0x5: {  	_ = 	snop  }
0x6: {  	_ = 	snop  }
0x7: {  	_ = 	snop  }
__scs_overlays_trampoline_lowered:
0x8: {  	[smem:$0x3FAD] =	sst s0  }
0x9: {  	[smem:$0x3FAE] =	sst s1  }
0xa: {  	[smem:$0x3FAF] =	sst s2  }
0xb: {  	[smem:$0x3FB0] =	sst s3  }
0xc: {  	[smem:$0x3FB1] =	sst s4  }
0xd: {  	[smem:$0x3FB2] =	sst s5  }
0xe: {  	[smem:$0x3FB3] =	sst s6  }
0xf: {  	[smem:$0x3FB4] =	sst s7  }
0x10: {  	[smem:$0x3FB5] =	sst s8  }
0x11: {  	[smem:$0x3FB6] =	sst s9;
	s0 =	simm.s32 @!p0 $0x0  }
0x12: {  	s1 =	sld [smem:$0x3F9C];
	s0 =	simm.s32 @p0 $0x1  }
0x13: {  	[smem:$0x3FB7] =	sst s0;
	s0 =	simm.s32 @!p1 $0x0  }
0x14: {  	s2 =	sld [smem:$0x3F9B];
	s0 =	simm.s32 @p1 $0x1  }
0x15: {  	[smem:$0x3FB8] =	sst s0;
	s0 =	simm.s32 @!p2 $0x0  }
0x16: {  	s3 =	sld [smem:$0x3FDB];
	s0 =	simm.s32 @p2 $0x1  }
0x17: {  	s4 =	simm.s32 $0x1BF5;
	[smem:$0x3FBA] =	sst s0  }
0x18: {  	s0 =	sld [smem:$0x3F9D];
	_ =	swait.ge [sflag:s4], $0x0  }
0x19: {  	s7 =	sld [smem:$0x3F9E]  }
0x1a: {  	s8 =	sadd.s32 $0xFFFFE003, lr  }
0x1b: {  	s9 =	sadd.s32 $0xFFFFFEF7, lr;
	s5 =	simm.s32 $0xFFFFFFFF;
	p2 =	slt.u32 s8, $0xFFFFF086  }
0x1c: {  	p1 =	slt.u32 s9, $0xF7A;
	s5 =	simm.s32 @!p2 $0x0  }
0x1d: {  	s5 =	simm.s32 @p1 $0x1;
	p0 =	seq.s32 s7, s2  }
0x1e: {  	s7 =	smul.u32 @!p0 $0xF7A, s2;
	p2 =	seq.s32 @!p0 s5, $0x0  }
0x1f: {  	s9 =	smul.u32 $0xF7A, s1;
	s8 =	simm.s32 @!p0 $0x1BF5;
	p2 =	por !p2, p0  }
0x20: {  	[sflag:s8] =	ssyncset.s32 @!p0 $0xFFFFF086;
	s6 =	sadd.s32 @!p0 s3, s7;
	s7 =	simm.s32 @!p0 $0x108  }
0x21: {  	s3 =	sadd.s32 s3, s9;
	s6 =	sadd.s32 @!p0 $0x88, s6;
	s7 =	simm.s32 @p2 $0x1082  }
0x22: {  	[simem:s7], [sflag:s8] =	dma.local @!p0 [hbm:s6], $0xF7A  }
0x23: {  	s9 =	sor.u32 $0xD0000000, s2;
	s6 =	simm.s32 $0x108;
	_ =	swait.ge @!p0 [sflag:s8], $0x0  }
0x24: {  	s3 =	sadd.s32 $0x88, s3;
	s6 =	simm.s32 @!p1 $0x1082;
	[sflag:s4] =	ssyncset.s32 $0xFFFFF086  }
0x25: {  	[simem:s6], [sflag:s4] =	dma.local [hbm:s3], $0xF7A  }
0x26: {  	[smem:$0x3F9E] =	sst s1;
	(tag) =	ssettag s2;
	_ =	strace s9  }
0x27: {  	s1 =	sld [smem:$0x3FAE]  }
0x28: {  	s2 =	sld [smem:$0x3FAF]  }
0x29: {  	s4 =	sld [smem:$0x3FB1]  }
0x2a: {  	p0 =	seq.s32 s5, $0x0;
	s5 =	sld [smem:$0x3FB2]  }
0x2b: {  	s6 =	sld [smem:$0x3FB3]  }
0x2c: {  	s7 =	sld [smem:$0x3FB4]  }
0x2d: {  	s3 =	simm.s32 $0x108;
	s8 =	sld [smem:$0x3FB5]  }
0x2e: {  	s3 =	simm.s32 @!p0 $0x1082;
	s9 =	sld [smem:$0x3FB6]  }
0x2f: {  	lr =	sadd.s32 s0, s3;
	s0 =	sld [smem:$0x3FAD]  }
0x30: {  	s3 =	sld [smem:$0x3FB0]  }
0x31: {  	[smem:$0x3FB9] =	sst s10  }
0x32: {  	s10 =	sld [smem:$0x3FB7];
	_ =	sdelay $0x3  }
0x33: {  	p0 =	seq.s32 s10, $0x1;
	s10 =	sld [smem:$0x3FB9];
	_ =	sdelay $0x3  }
0x34: {  	[smem:$0x3FB9] =	sst s10  }
0x35: {  	s10 =	sld [smem:$0x3FB8];
	_ =	sdelay $0x3  }
0x36: {  	p1 =	seq.s32 s10, $0x1;
	s10 =	sld [smem:$0x3FB9];
	_ =	sdelay $0x3  }
0x37: {  	[smem:$0x3FB9] =	sst s10  }
0x38: {  	s10 =	sld [smem:$0x3FBA]  }
0x39: {  	_ = 	snop;
	(pc) =	sbr.ind lr, $3  }
0x3a: {  	_ = 	snop  }
0x3b: {  	_ = 	snop  }
0x3c: {  	p2 =	seq.s32 s10, $0x1;
	s10 =	sld [smem:$0x3FB9]  }
0x3d: {  	_ =	shalt  }
0x3e: {  	_ =	shalt  }
0x3f: {  	_ =	shalt  }
0x40: {  	_ =	shalt  }
0x41: {  	_ =	shalt  }
0x42: {  	_ =	shalt  }
0x43: {  	_ =	shalt  }
0x44: {  	_ =	shalt  }
0x45: {  	_ =	shalt  }
0x46: {  	_ =	shalt  }
0x47: {  	_ =	shalt  }
0x48: {  	_ =	shalt  }
0x49: {  	_ =	shalt  }
0x4a: {  	_ =	shalt  }
0x4b: {  	_ =	shalt  }
0x4c: {  	_ =	shalt  }
0x4d: {  	_ =	shalt  }
0x4e: {  	_ =	shalt  }
0x4f: {  	_ =	shalt  }
0x50: {  	_ =	shalt  }
0x51: {  	_ =	shalt  }
0x52: {  	_ =	shalt  }
0x53: {  	_ =	shalt  }
0x54: {  	_ =	shalt  }
0x55: {  	_ =	shalt  }
0x56: {  	_ =	shalt  }
0x57: {  	_ =	shalt  }
0x58: {  	_ =	shalt  }
0x59: {  	_ =	shalt  }
0x5a: {  	_ =	shalt  }
0x5b: {  	_ =	shalt  }
0x5c: {  	_ =	shalt  }
0x5d: {  	_ =	shalt  }
0x5e: {  	_ =	shalt  }
0x5f: {  	_ =	shalt  }
0x60: {  	_ =	shalt  }
0x61: {  	_ =	shalt  }
0x62: {  	_ =	shalt  }
0x63: {  	_ =	shalt  }
0x64: {  	_ =	shalt  }
0x65: {  	_ =	shalt  }
0x66: {  	_ =	shalt  }
0x67: {  	_ =	shalt  }
0x68: {  	_ =	shalt  }
0x69: {  	_ =	shalt  }
0x6a: {  	_ =	shalt  }
0x6b: {  	_ =	shalt  }
0x6c: {  	_ =	shalt  }
0x6d: {  	_ =	shalt  }
0x6e: {  	_ =	shalt  }
0x6f: {  	_ =	shalt  }
0x70: {  	_ =	shalt  }
0x71: {  	_ =	shalt  }
0x72: {  	_ =	shalt  }
0x73: {  	_ =	shalt  }
0x74: {  	_ =	shalt  }
0x75: {  	_ =	shalt  }
0x76: {  	_ =	shalt  }
0x77: {  	_ =	shalt  }
0x78: {  	_ =	shalt  }
0x79: {  	_ =	shalt  }
0x7a: {  	_ =	shalt  }
0x7b: {  	_ =	shalt  }
0x7c: {  	_ =	shalt  }
0x7d: {  	_ =	shalt  }
0x7e: {  	_ =	shalt  }
0x7f: {  	_ =	shalt  }
0x80: {  	_ =	shalt  }
0x81: {  	_ =	shalt  }
0x82: {  	_ =	shalt  }
0x83: {  	_ =	shalt  }
0x84: {  	_ =	shalt  }
0x85: {  	_ =	shalt  }
0x86: {  	_ =	shalt  }
0x87: {  	_ =	shalt  }
.Lfunc_end0:
.L_simem_size_0:
called_computation_lowered:
.L_overlay_start_0:
0x88: {  	s2 =	sld [smem:$0x3FD9]  }
0x89: {  	s3 =	sld [smem:$0x3FFE];
	_ =	sdelay $0x1  }
0x8a: {  	s1 =	srdreg.scid  }
0x8b: {  	s0 =	sand.u32 $0x1, s1  }
0x8c: {  	s17 =	sshll.u32 s0, $0xA;
	s2 =	sadd.s32 s3, s2  }
0x8d: {  	s2 =	sadd.s32 s2, s17  }
0x8e: {  	[smem:$0x3FC5] =	sst s2  }
0x8f: {  	_ = 	snop  }
0x90: {  	s2 =	sld [smem:$0x3FC8];
	(tm) =	ssettm $0x1  }
0x91: {  	s18 =	sld [smem:$0x3FFB];
	_ =	sdelay $0x3  }
0x92: {  	_ =	strace s18  }
0x93: {  	s3 =	sld [smem:$0x3FFC];
	_ =	sdelay $0x3  }
0x94: {  	_ =	strace s3  }
0x95: {  	s3 =	sld [smem:$0x3FFD];
	_ =	sdelay $0x3  }
0x96: {  	_ =	strace s3  }
0x97: {  	_ =	strace $0x8FFFFFFF  }
0x98: {  	s19 =	sld [smem:$0x3FDB];
	_ =	sdelay $0x1  }
0x99: {  	s4 =	simm.s32 $_scs_section_size  }
0x9a: {  	s5 =	simm.s32 $_size__tile_overlayer_lowered;
	s6 =	simm.s32 $_tile_overlayer_lowered  }
0x9b: {  	s22 =	simm.s32 $0x1BFF;
	s21 =	sshll.u32 s6, $0x1;
	s3 =	sadd.s32 s4, s19  }
0x9c: {  	s7 =	simm.s32 $0x0;
	s20 =	sshll.u32 s5, $0x1;
	s5 =	sadd.s32 s21, s3  }
0x9d: {  	[timem:s7], [sflag:s22] =	dma.local [hbm:s5], s20  }
0x9e: {  	_ =	swait.ge [sflag:s22], s20  }
0x9f: {  	s4 =	ssub.s32 $0x0, s20;
	[sflag:s22] =	ssyncset.done $0x0  }
0xa0: {  	[sflag:s22] =	ssyncadd.s32 s4;
	_ =	sdelay $0x1  }
0xa1: {  	s23 =	simm.s32 $0x1B8B  }
0xa2: {  	_ =	swait.ge [sflag:s23], $0x1  }
0xa3: {  	[sflag:s23] =	ssyncset.done $0x0  }
0xa4: {  	s25 =	simm.s32 $0x1B8E;
	s24 =	sld [smem:$0x3FFE];
	[sflag:s23] =	ssyncadd.s32 $0xFFFFFFFF  }
0xa5: {  	s26 =	simm.s32 $execute0_lowered;
	[smem:$0x3FD2] =	sst s25  }
0xa6: {  	s5 =	sshll.u32 s26, $0x1;
	_ =	strace $0x80000046;
	[dreg:$0x1] =	wrdreg $0xFFFFFFFF  }
0xa7: {  	s28 =	simm.s32 $_size_execute0_lowered;
	s3 =	sadd.s32 s3, s5;
	[dreg:$0x0] =	wrdreg $0x0  }
0xa8: {  	s5 =	sshll.u32 s28, $0x1;
	[dreg:$0x2] =	wrdreg s3  }
0xa9: {  	[dreg:$0x3] =	wrdreg s5  }
0xaa: {  	[dreg:$0x4] =	wrdreg $0xC0  }
0xab: {  	_ =	task [dreg:s7], $0x5FFFF  }
0xac: {  	[dreg:$0x1] =	wrdreg $0xFFFFFFFF  }
0xad: {  	[dreg:$0x0] =	wrdreg $0x60  }
0xae: {  	[dreg:$0x2] =	wrdreg s2  }
0xaf: {  	[dreg:$0x3] =	wrdreg s24  }
0xb0: {  	[dreg:$0x4] =	wrdreg $0xA0000  }
0xb1: {  	[dreg:$0x5] =	wrdreg $0x9  }
0xb2: {  	_ =	task.clear_ibuf [dreg:s7], $0x6FFFF;
	_ =	strace $0x90000046  }
0xb3: {  	s29 =	simm.s32 $0x9;
	_ =	strace $0x80000048  }
0xb4: {  	_ =	swait.ge [sflag:s29], $0x1  }
0xb5: {  	[sflag:s29] =	ssyncadd.s32 $0xFFFFFFFF  }
0xb6: {  	_ =	strace $0x90000048  }
0xb7: {  	_ =	sfence  }
0xb8: {  	s30 =	sld [smem:$0x0];
	_ =	sdelay $0x2  }
0xb9: {  	s31 =	sshll.u32 s1, $0xD;
	s1 =	sshrl.u32 s1, $0x2  }
0xba: {  	s3 =	sand.u32 $0x4000, s31;
	s1 =	sadd.s32 s1, s30  }
0xbb: {  	s0 =	sor.u32 s3, s0;
	s1 =	sshll.u32 s1, $0x11  }
0xbc: {  	s0 =	sor.u32 s1, s0  }
0xbd: {  	s0 =	sadd.s32 $0x8F2B, s0  }
0xbe: {  	[sflag:s0] =	ssyncadd.remote.s32 $0x1  }
0xbf: {  	_ =	sfence.sel $0xFFFF  }
0xc0: {  	[dreg:$0x0] =	wrdreg $0xFFFFFFFF;
	(pc) =	sbr.abs _section_cstart, $3  }
0xc1: {  	[dreg:$0x1] =	wrdreg $0xFFFFFFFF  }
0xc2: {  	_ =	task.clear_ibuf [dreg:s7], $0x2FFFF;
	_ =	strace $0x9FFFFFFF  }
0xc3: {  	(tm) =	ssettm $0x7FFFFFFF  }
tec
execute0_lowered:
.L_overlay_start_1:
0x0: {  	(tag) =	ssettag $0x1  }
0x1: {  	s0 =	srdreg.scid  }
0x2: {  	s13 =	stileid.u32;
	s2 =	sand.u32 $0x1, s0  }
0x3: {  	s1 =	rddreg [dreg:$0x0];
	s4 =	sshll.u32 s13, $0x11;
	s0 =	sshll.u32 s2, $0x15  }
0x4: {  	s3 =	rddreg [dreg:$0x1];
	s0 =	sor.u32 s4, s0  }
0x5: {  	s28 =	simm.s32 $0x3;
	s29 =	simm.s32 $0x80;
	s0 =	sshrl.u32 s0, $0x3  }
0x6: {  	s30 =	simm.s32 $0x100;
	s5 =	ssub.s32 $0x2, s2;
	s8 =	sor.u32 $0x400, s0  }
0x7: {  	s6 =	sadd.s32 $0xA00, s3;
	s7 =	sshrl.u32 s5, $0x1;
	s25 =	sadd.s32 s1, s8  }
0x8: {  	s26 =	sor.u32 $0x800, s0;
	s9 =	sadd.s32 s6, s8;
	[dreg:$0x4] =	wrdreg s25  }
0x9: {  	s20 =	ssub.s32 s5, s7;
	s10 =	sadd.s32 s1, s26;
	[dreg:$0x5] =	wrdreg s9  }
0xa: {  	s11 =	sor.u32 $0xC00, s0;
	s5 =	sadd.s32 s6, s26;
	[dreg:$0x6] =	wrdreg s10  }
0xb: {  	s31 =	simm.s32 $0x0;
	s12 =	sadd.s32 s1, s11;
	[dreg:$0x7] =	wrdreg s5  }
0xc: {  	s14 =	sor.u32 $0x1000, s0;
	s7 =	sadd.s32 s6, s11;
	[dreg:$0x8] =	wrdreg s12  }
0xd: {  	s16 =	sor.u32 $0x1400, s0;
	s15 =	sadd.s32 s1, s14;
	[dreg:$0x9] =	wrdreg s7  }
0xe: {  	s18 =	sor.u32 $0x1800, s0;
	s17 =	sadd.s32 s1, s16;
	[dreg:$0xa] =	wrdreg s15  }
0xf: {  	s21 =	sor.u32 $0x1C00, s0;
	s19 =	sadd.s32 s1, s18;
	[dreg:$0xc] =	wrdreg s17  }
0x10: {  	s23 =	sor.u32 $0x2000, s0;
	s22 =	sadd.s32 s1, s21;
	[dreg:$0xe] =	wrdreg s19  }
0x11: {  	s2 =	sshll.u32 s2, $0x7;
	s24 =	sadd.s32 s1, s23;
	[dreg:$0x10] =	wrdreg s22  }
0x12: {  	s4 =	sor.u32 s2, s4;
	s5 =	sadd.s32 s6, s14;
	[dreg:$0x12] =	wrdreg s24  }
0x13: {  	s8 =	sor.u32 $0x2800, s0;
	s7 =	sadd.s32 s6, s16;
	[dreg:$0xb] =	wrdreg s5  }
0x14: {  	s4 =	sshrl.u32 s4, $0x3;
	s9 =	sadd.s32 s1, s8;
	[dreg:$0xd] =	wrdreg s7  }
0x15: {  	s20 =	smax.u32 s20, $0x1;
	s19 =	sadd.s32 s1, s0;
	[dreg:$0x16] =	wrdreg s9  }
0x16: {  	s25 =	sor.u32 $0x2400, s0;
	s5 =	sadd.s32 s6, s18;
	[smem:$0x7FA] =	sst s19  }
0x17: {  	s10 =	sor.u32 $0x2C00, s0;
	s7 =	sadd.s32 s6, s21;
	[dreg:$0xf] =	wrdreg s5  }
0x18: {  	s12 =	sor.u32 $0x3000, s0;
	s26 =	sadd.s32 s1, s25;
	[dreg:$0x11] =	wrdreg s7  }
0x19: {  	s15 =	sor.u32 $0x3400, s0;
	s11 =	sadd.s32 s1, s10;
	[dreg:$0x14] =	wrdreg s26  }
0x1a: {  	s17 =	sor.u32 $0x3800, s0;
	s14 =	sadd.s32 s1, s12;
	[dreg:$0x18] =	wrdreg s11  }
0x1b: {  	s22 =	sshll.u32 s13, $0x9;
	s16 =	sadd.s32 s1, s15;
	[dreg:$0x1a] =	wrdreg s14  }
0x1c: {  	s18 =	sadd.s32 s1, s17;
	s21 =	sadd.s32 s6, s0;
	[dreg:$0x1c] =	wrdreg s16  }
0x1d: {  	s0 =	sor.u32 $0x3C00, s0;
	s5 =	sadd.s32 s6, s23;
	[dreg:$0x1e] =	wrdreg s18  }
0x1e: {  	s7 =	sadd.s32 s6, s25;
	[smem:$0x7FB] =	sst s21;
	s1 =	sadd.s32 s1, s0  }
0x1f: {  	s0 =	sadd.s32 s6, s0;
	s14 =	sor.u32 $0x80, s22;
	[dreg:$0x13] =	wrdreg s5  }
0x20: {  	s16 =	sor.u32 $0x100, s22;
	s18 =	sor.u32 $0x180, s22;
	[dreg:$0x15] =	wrdreg s7  }
0x21: {  	s5 =	sadd.s32 s6, s8;
	s7 =	sadd.s32 s6, s10;
	[smem:$0x7FC] =	sst s1  }
0x22: {  	[smem:$0x7FD] =	sst s0;
	s1 =	sor.u32 $0x40, s22;
	s0 =	sor.u32 $0x1C0, s22  }
0x23: {  	s24 =	sshll.u32 s14, $0x8;
	s26 =	sshll.u32 s16, $0x8;
	[dreg:$0x17] =	wrdreg s5  }
0x24: {  	s10 =	sshll.u32 s18, $0x8;
	s18 =	sshll.u32 s18, $0x7;
	[dreg:$0x19] =	wrdreg s7  }
0x25: {  	s5 =	sadd.s32 s6, s12;
	s7 =	sadd.s32 s6, s15;
	s15 =	sor.u32 $0xC0, s22  }
0x26: {  	s23 =	sshll.u32 s1, $0x8;
	s8 =	sor.u32 s2, s26;
	s11 =	sshll.u32 s0, $0x8  }
0x27: {  	s10 =	sor.u32 s2, s10;
	s12 =	sadd.s32 $0x80A00, s3;
	[dreg:$0x1b] =	wrdreg s5  }
0x28: {  	s1 =	sshll.u32 s1, $0x7;
	s0 =	sshll.u32 s0, $0x7;
	[dreg:$0x1d] =	wrdreg s7  }
0x29: {  	s5 =	sadd.s32 s6, s17;
	s17 =	sor.u32 $0x140, s22;
	s6 =	sor.u32 s2, s24  }
0x2a: {  	s25 =	sshll.u32 s15, $0x8;
	s11 =	sor.u32 s2, s11;
	s3 =	sadd.s32 s12, s4  }
0x2b: {  	s19 =	sshrl.u32 s8, $0x3;
	s22 =	sshrl.u32 s10, $0x3;
	s10 =	rddreg [dreg:$0x2]  }
0x2c: {  	s24 =	sshll.u32 s14, $0x7;
	s15 =	sshll.u32 s15, $0x7;
	[dreg:$0x1f] =	wrdreg s5  }
0x2d: {  	s5 =	sor.u32 s2, s23;
	s7 =	sor.u32 s2, s25;
	s9 =	sshll.u32 s17, $0x8  }
0x2e: {  	s6 =	sshrl.u32 s6, $0x3;
	s11 =	sshrl.u32 s11, $0x3;
	s23 =	sshll.u32 s13, $0x10  }
0x2f: {  	s13 =	sadd.s32 s1, s10;
	s14 =	sadd.s32 s24, s10;
	s15 =	sadd.s32 s15, s10  }
0x30: {  	s25 =	sshll.u32 s16, $0x7;
	s26 =	sshll.u32 s17, $0x7;
	s18 =	sadd.s32 s18, s10  }
0x31: {  	s24 =	simm.s32 $0x4000;
	s9 =	sor.u32 s2, s9;
	s2 =	simm.s32 $0x0  }
0x32: {  	s5 =	sshrl.u32 s5, $0x3;
	s7 =	sshrl.u32 s7, $0x3;
	s11 =	sadd.s32 s12, s11  }
0x33: {  	s16 =	sadd.s32 s25, s10;
	s17 =	sadd.s32 s26, s10;
	s25 =	simm.s32 $0x6000  }
0x34: {  	s26 =	simm.s32 $0x1;
	[smem:$0x7FF] =	sst s2;
	s4 =	sadd.s32 s12, s5  }
0x35: {  	s5 =	sadd.s32 s12, s6;
	s6 =	sadd.s32 s12, s7;
	s21 =	sshrl.u32 s9, $0x3  }
0x36: {  	s7 =	sadd.s32 s12, s19;
	s9 =	sadd.s32 s12, s22;
	s19 =	sadd.s32 s0, s10  }
0x37: {  	s22 =	simm.s32 $0x8000;
	s8 =	sadd.s32 s12, s21;
	_ =	strace $0x80000047  }
0x38: {  	v0 =	vimm.f32 $0.0e+00;
	s12 =	sadd.s32 s23, s10;
	s21 =	simm.s32 $0x2000;
	s23 =	simm.s32 $0x2  }
.LBB2_1:
0x39: {  	s0 =	sld [smem:$0x7FA];
	_ =	sdelay $0x1  }
0x3a: {  	s1 =	sld [smem:$0x7FB]  }
0x3b: {  	[tilespmem:s2], [sflag:$0x1] =	stream.linear.gather [hbm4b:s0+s2], $0x2000, $0x38;
	[tilespmem:$0x1A000] =	vst v63  }
0x3c: {  	_ = 	snop  }
0x3d: {  	[tilespmem:s21], [sflag:$0x1] =	stream.linear.gather [hbm4b:s1+s2], $0x2000, $0x38;
	[tilespmem:$0x1A000] =	vst v63  }
0x3e: {  	s0 =	simm.s32 $0x40;
	s1 =	simm.s32 $0x0  }
.LBB2_2:
0x3f: {  	p0 =	sne.s32 s0, $0x7FC0;
	[tilespmem:s1+$0x8000] =	vst v0;
	s1 =	smov.u32 s0;
	s0 =	sadd.s32 $0x40, s0  }
.Ltmp0:
0x40: {  	(pc) =	sbr.rel @p0 .LBB2_2-.Ltmp0, $2  }
0x41: {  	_ =	sdelay $0x2  }
0x42: {  	s1 =	sshra.s32 s1, $0x2  }
0x43: {  	[tilespmem:s1+$0x8000] =	vst v0  }
0x44: {  	[spmem:s12] =	stream.linear.scatter [tilespmem:s22], [sflag:$0x2], $0x2000, $0x38;
	[tilespmem:$0x1A000] =	vst v63  }
0x45: {  	_ = 	snop  }
0x46: {  	[spmem:s13] =	stream.linear.scatter [tilespmem:s22], [sflag:$0x2], $0x2000, $0x38;
	[tilespmem:$0x1A000] =	vst v63  }
0x47: {  	_ = 	snop  }
0x48: {  	[spmem:s14] =	stream.linear.scatter [tilespmem:s22], [sflag:$0x2], $0x2000, $0x38;
	[tilespmem:$0x1A000] =	vst v63  }
0x49: {  	_ = 	snop  }
0x4a: {  	[spmem:s15] =	stream.linear.scatter [tilespmem:s22], [sflag:$0x2], $0x2000, $0x38;
	[tilespmem:$0x1A000] =	vst v63  }
0x4b: {  	_ = 	snop  }
0x4c: {  	[spmem:s16] =	stream.linear.scatter [tilespmem:s22], [sflag:$0x2], $0x2000, $0x38;
	[tilespmem:$0x1A000] =	vst v63  }
0x4d: {  	_ = 	snop  }
0x4e: {  	[spmem:s17] =	stream.linear.scatter [tilespmem:s22], [sflag:$0x2], $0x2000, $0x38;
	[tilespmem:$0x1A000] =	vst v63  }
0x4f: {  	_ = 	snop  }
0x50: {  	[spmem:s18] =	stream.linear.scatter [tilespmem:s22], [sflag:$0x2], $0x2000, $0x38;
	[tilespmem:$0x1A000] =	vst v63  }
0x51: {  	_ = 	snop  }
0x52: {  	[spmem:s19] =	stream.linear.scatter [tilespmem:s22], [sflag:$0x2], $0x2000, $0x38;
	[tilespmem:$0x1A000] =	vst v63  }
0x53: {  	_ =	swait.ge [sflag:s23], $0x2000  }
0x54: {  	[sflag:s23] =	ssyncset.done $0x0  }
0x55: {  	[sflag:s23] =	ssyncadd.s32 $0xFFFFE000  }
0x56: {  	_ =	swait.ge [sflag:s23], $0x2000  }
0x57: {  	[sflag:s23] =	ssyncset.done $0x0  }
0x58: {  	[sflag:s23] =	ssyncadd.s32 $0xFFFFE000  }
0x59: {  	_ =	swait.ge [sflag:s23], $0x2000  }
0x5a: {  	[sflag:s23] =	ssyncset.done $0x0  }
0x5b: {  	[sflag:s23] =	ssyncadd.s32 $0xFFFFE000  }
0x5c: {  	_ =	swait.ge [sflag:s23], $0x2000  }
0x5d: {  	[sflag:s23] =	ssyncset.done $0x0  }
0x5e: {  	[sflag:s23] =	ssyncadd.s32 $0xFFFFE000  }
0x5f: {  	_ =	swait.ge [sflag:s23], $0x2000  }
0x60: {  	[sflag:s23] =	ssyncset.done $0x0  }
0x61: {  	[sflag:s23] =	ssyncadd.s32 $0xFFFFE000  }
0x62: {  	_ =	swait.ge [sflag:s23], $0x2000  }
0x63: {  	[sflag:s23] =	ssyncset.done $0x0  }
0x64: {  	[sflag:s23] =	ssyncadd.s32 $0xFFFFE000  }
0x65: {  	_ =	swait.ge [sflag:s23], $0x2000  }
0x66: {  	[sflag:s23] =	ssyncset.done $0x0  }
0x67: {  	[sflag:s23] =	ssyncadd.s32 $0xFFFFE000  }
0x68: {  	_ =	swait.ge [sflag:s23], $0x2000  }
0x69: {  	[sflag:s23] =	ssyncset.done $0x0  }
0x6a: {  	[sflag:s23] =	ssyncadd.s32 $0xFFFFE000  }
0x6b: {  	[bflag:$0x0] =	sbarrier.arrive $0xFFFF  }
0x6c: {  	s0 =	rddreg [dreg:$0x4]  }
0x6d: {  	[tilespmem:s24], [sflag:$0x2] =	stream.linear.gather [hbm4b:s0+s2], $0x2000, $0x38;
	[tilespmem:$0x1A000] =	vst v63  }
0x6e: {  	s1 =	rddreg [dreg:$0x5]  }
0x6f: {  	[tilespmem:s25], [sflag:$0x2] =	stream.linear.gather [hbm4b:s1+s2], $0x2000, $0x38;
	[tilespmem:$0x1A000] =	vst v63  }
0x70: {  	_ =	swait.ge [sflag:s26], $0x2000  }
0x71: {  	[sflag:s26] =	ssyncset.done $0x0  }
0x72: {  	[sflag:s26] =	ssyncadd.s32 $0xFFFFE000  }
0x73: {  	_ =	swait.ge [sflag:s26], $0x2000  }
0x74: {  	[sflag:s26] =	ssyncset.done $0x0  }
0x75: {  	[sflag:s26] =	ssyncadd.s32 $0xFFFFE000  }
0x76: {  	[spmem:s10] =	stream.indirect.scatter.add.f32 [tilespmem:s21], [sflag:$0x3], $0x1, s2, s21, $0xb8;
	[tilespmem:$0x1A000] =	vst v63  }
0x77: {  	_ =	swait.ge [sflag:s28], $0x2000  }
0x78: {  	[sflag:s28] =	ssyncset.done $0x0  }
0x79: {  	s1 =	rddreg [dreg:$0x6];
	[sflag:s28] =	ssyncadd.s32 $0xFFFFE000  }
0x7a: {  	[tilespmem:s2], [sflag:$0x1] =	stream.linear.gather [hbm4b:s1+s2], $0x2000, $0x38;
	[tilespmem:$0x1A000] =	vst v63  }
0x7b: {  	s1 =	rddreg [dreg:$0x7]  }
0x7c: {  	[tilespmem:s21], [sflag:$0x1] =	stream.linear.gather [hbm4b:s1+s2], $0x2000, $0x38;
	[tilespmem:$0x1A000] =	vst v63  }
0x7d: {  	_ =	swait.ge [sflag:s23], $0x2000  }
0x7e: {  	[sflag:s23] =	ssyncset.done $0x0  }
0x7f: {  	[sflag:s23] =	ssyncadd.s32 $0xFFFFE000  }
0x80: {  	_ =	swait.ge [sflag:s23], $0x2000  }
0x81: {  	[sflag:s23] =	ssyncset.done $0x0  }
0x82: {  	[sflag:s23] =	ssyncadd.s32 $0xFFFFE000  }
0x83: {  	[spmem:s10] =	stream.indirect.scatter.add.f32 [tilespmem:s25], [sflag:$0x3], $0x1, s24, s21, $0xb8;
	[tilespmem:$0x1A000] =	vst v63  }
0x84: {  	_ =	swait.ge [sflag:s28], $0x2000  }
0x85: {  	[sflag:s28] =	ssyncset.done $0x0  }
0x86: {  	s1 =	rddreg [dreg:$0x8];
	[sflag:s28] =	ssyncadd.s32 $0xFFFFE000  }
0x87: {  	[tilespmem:s24], [sflag:$0x2] =	stream.linear.gather [hbm4b:s1+s2], $0x2000, $0x38;
	[tilespmem:$0x1A000] =	vst v63  }
0x88: {  	s1 =	rddreg [dreg:$0x9]  }
0x89: {  	[tilespmem:s25], [sflag:$0x2] =	stream.linear.gather [hbm4b:s1+s2], $0x2000, $0x38;
	[tilespmem:$0x1A000] =	vst v63  }
0x8a: {  	_ =	swait.ge [sflag:s26], $0x2000  }
0x8b: {  	[sflag:s26] =	ssyncset.done $0x0  }
0x8c: {  	[sflag:s26] =	ssyncadd.s32 $0xFFFFE000  }
0x8d: {  	_ =	swait.ge [sflag:s26], $0x2000  }
0x8e: {  	[sflag:s26] =	ssyncset.done $0x0  }
0x8f: {  	[sflag:s26] =	ssyncadd.s32 $0xFFFFE000  }
0x90: {  	[spmem:s10] =	stream.indirect.scatter.add.f32 [tilespmem:s21], [sflag:$0x3], $0x1, s2, s21, $0xb8;
	[tilespmem:$0x1A000] =	vst v63  }
0x91: {  	_ =	swait.ge [sflag:s28], $0x2000  }
0x92: {  	[sflag:s28] =	ssyncset.done $0x0  }
0x93: {  	s1 =	rddreg [dreg:$0xa];
	[sflag:s28] =	ssyncadd.s32 $0xFFFFE000  }
0x94: {  	[tilespmem:s2], [sflag:$0x1] =	stream.linear.gather [hbm4b:s1+s2], $0x2000, $0x38;
	[tilespmem:$0x1A000] =	vst v63  }
0x95: {  	s1 =	rddreg [dreg:$0xb]  }
0x96: {  	[tilespmem:s21], [sflag:$0x1] =	stream.linear.gather [hbm4b:s1+s2], $0x2000, $0x38;
	[tilespmem:$0x1A000] =	vst v63  }
0x97: {  	_ =	swait.ge [sflag:s23], $0x2000  }
0x98: {  	[sflag:s23] =	ssyncset.done $0x0  }
0x99: {  	[sflag:s23] =	ssyncadd.s32 $0xFFFFE000  }
0x9a: {  	_ =	swait.ge [sflag:s23], $0x2000  }
0x9b: {  	[sflag:s23] =	ssyncset.done $0x0  }
0x9c: {  	[sflag:s23] =	ssyncadd.s32 $0xFFFFE000  }
0x9d: {  	[spmem:s10] =	stream.indirect.scatter.add.f32 [tilespmem:s25], [sflag:$0x3], $0x1, s24, s21, $0xb8;
	[tilespmem:$0x1A000] =	vst v63  }
0x9e: {  	_ =	swait.ge [sflag:s28], $0x2000  }
0x9f: {  	[sflag:s28] =	ssyncset.done $0x0  }
0xa0: {  	s1 =	rddreg [dreg:$0xc];
	[sflag:s28] =	ssyncadd.s32 $0xFFFFE000  }
0xa1: {  	[tilespmem:s24], [sflag:$0x2] =	stream.linear.gather [hbm4b:s1+s2], $0x2000, $0x38;
	[tilespmem:$0x1A000] =	vst v63  }
0xa2: {  	s1 =	rddreg [dreg:$0xd]  }
0xa3: {  	[tilespmem:s25], [sflag:$0x2] =	stream.linear.gather [hbm4b:s1+s2], $0x2000, $0x38;
	[tilespmem:$0x1A000] =	vst v63  }
0xa4: {  	_ =	swait.ge [sflag:s26], $0x2000  }
0xa5: {  	[sflag:s26] =	ssyncset.done $0x0  }
0xa6: {  	[sflag:s26] =	ssyncadd.s32 $0xFFFFE000  }
0xa7: {  	_ =	swait.ge [sflag:s26], $0x2000  }
0xa8: {  	[sflag:s26] =	ssyncset.done $0x0  }
0xa9: {  	[sflag:s26] =	ssyncadd.s32 $0xFFFFE000  }
0xaa: {  	[spmem:s10] =	stream.indirect.scatter.add.f32 [tilespmem:s21], [sflag:$0x3], $0x1, s2, s21, $0xb8;
	[tilespmem:$0x1A000] =	vst v63  }
0xab: {  	_ =	swait.ge [sflag:s28], $0x2000  }
0xac: {  	[sflag:s28] =	ssyncset.done $0x0  }
0xad: {  	s1 =	rddreg [dreg:$0xe];
	[sflag:s28] =	ssyncadd.s32 $0xFFFFE000  }
0xae: {  	[tilespmem:s2], [sflag:$0x1] =	stream.linear.gather [hbm4b:s1+s2], $0x2000, $0x38;
	[tilespmem:$0x1A000] =	vst v63  }
0xaf: {  	s1 =	rddreg [dreg:$0xf]  }
0xb0: {  	[tilespmem:s21], [sflag:$0x1] =	stream.linear.gather [hbm4b:s1+s2], $0x2000, $0x38;
	[tilespmem:$0x1A000] =	vst v63  }
0xb1: {  	_ =	swait.ge [sflag:s23], $0x2000  }
0xb2: {  	[sflag:s23] =	ssyncset.done $0x0  }
0xb3: {  	[sflag:s23] =	ssyncadd.s32 $0xFFFFE000  }
0xb4: {  	_ =	swait.ge [sflag:s23], $0x2000  }
0xb5: {  	[sflag:s23] =	ssyncset.done $0x0  }
0xb6: {  	[sflag:s23] =	ssyncadd.s32 $0xFFFFE000  }
0xb7: {  	[spmem:s10] =	stream.indirect.scatter.add.f32 [tilespmem:s25], [sflag:$0x3], $0x1, s24, s21, $0xb8;
	[tilespmem:$0x1A000] =	vst v63  }
0xb8: {  	_ =	swait.ge [sflag:s28], $0x2000  }
0xb9: {  	[sflag:s28] =	ssyncset.done $0x0  }
0xba: {  	s1 =	rddreg [dreg:$0x10];
	[sflag:s28] =	ssyncadd.s32 $0xFFFFE000  }
0xbb: {  	[tilespmem:s24], [sflag:$0x2] =	stream.linear.gather [hbm4b:s1+s2], $0x2000, $0x38;
	[tilespmem:$0x1A000] =	vst v63  }
0xbc: {  	s1 =	rddreg [dreg:$0x11]  }
0xbd: {  	[tilespmem:s25], [sflag:$0x2] =	stream.linear.gather [hbm4b:s1+s2], $0x2000, $0x38;
	[tilespmem:$0x1A000] =	vst v63  }
0xbe: {  	_ =	swait.ge [sflag:s26], $0x2000  }
0xbf: {  	[sflag:s26] =	ssyncset.done $0x0  }
0xc0: {  	[sflag:s26] =	ssyncadd.s32 $0xFFFFE000  }
0xc1: {  	_ =	swait.ge [sflag:s26], $0x2000  }
0xc2: {  	[sflag:s26] =	ssyncset.done $0x0  }
0xc3: {  	[sflag:s26] =	ssyncadd.s32 $0xFFFFE000  }
0xc4: {  	[spmem:s10] =	stream.indirect.scatter.add.f32 [tilespmem:s21], [sflag:$0x3], $0x1, s2, s21, $0xb8;
	[tilespmem:$0x1A000] =	vst v63  }
0xc5: {  	_ =	swait.ge [sflag:s28], $0x2000  }
0xc6: {  	[sflag:s28] =	ssyncset.done $0x0  }
0xc7: {  	s1 =	rddreg [dreg:$0x12];
	[sflag:s28] =	ssyncadd.s32 $0xFFFFE000  }
0xc8: {  	[tilespmem:s2], [sflag:$0x1] =	stream.linear.gather [hbm4b:s1+s2], $0x2000, $0x38;
	[tilespmem:$0x1A000] =	vst v63  }
0xc9: {  	s1 =	rddreg [dreg:$0x13]  }
0xca: {  	[tilespmem:s21], [sflag:$0x1] =	stream.linear.gather [hbm4b:s1+s2], $0x2000, $0x38;
	[tilespmem:$0x1A000] =	vst v63  }
0xcb: {  	_ =	swait.ge [sflag:s23], $0x2000  }
0xcc: {  	[sflag:s23] =	ssyncset.done $0x0  }
0xcd: {  	[sflag:s23] =	ssyncadd.s32 $0xFFFFE000  }
0xce: {  	_ =	swait.ge [sflag:s23], $0x2000  }
0xcf: {  	[sflag:s23] =	ssyncset.done $0x0  }
0xd0: {  	[sflag:s23] =	ssyncadd.s32 $0xFFFFE000  }
0xd1: {  	[spmem:s10] =	stream.indirect.scatter.add.f32 [tilespmem:s25], [sflag:$0x3], $0x1, s24, s21, $0xb8;
	[tilespmem:$0x1A000] =	vst v63  }
0xd2: {  	_ =	swait.ge [sflag:s28], $0x2000  }
0xd3: {  	[sflag:s28] =	ssyncset.done $0x0  }
0xd4: {  	s1 =	rddreg [dreg:$0x14];
	[sflag:s28] =	ssyncadd.s32 $0xFFFFE000  }
0xd5: {  	[tilespmem:s24], [sflag:$0x2] =	stream.linear.gather [hbm4b:s1+s2], $0x2000, $0x38;
	[tilespmem:$0x1A000] =	vst v63  }
0xd6: {  	s1 =	rddreg [dreg:$0x15]  }
0xd7: {  	[tilespmem:s25], [sflag:$0x2] =	stream.linear.gather [hbm4b:s1+s2], $0x2000, $0x38;
	[tilespmem:$0x1A000] =	vst v63  }
0xd8: {  	_ =	swait.ge [sflag:s26], $0x2000  }
0xd9: {  	[sflag:s26] =	ssyncset.done $0x0  }
0xda: {  	[sflag:s26] =	ssyncadd.s32 $0xFFFFE000  }
0xdb: {  	_ =	swait.ge [sflag:s26], $0x2000  }
0xdc: {  	[sflag:s26] =	ssyncset.done $0x0  }
0xdd: {  	[sflag:s26] =	ssyncadd.s32 $0xFFFFE000  }
0xde: {  	[spmem:s10] =	stream.indirect.scatter.add.f32 [tilespmem:s21], [sflag:$0x3], $0x1, s2, s21, $0xb8;
	[tilespmem:$0x1A000] =	vst v63  }
0xdf: {  	_ =	swait.ge [sflag:s28], $0x2000  }
0xe0: {  	[sflag:s28] =	ssyncset.done $0x0  }
0xe1: {  	s1 =	rddreg [dreg:$0x16];
	[sflag:s28] =	ssyncadd.s32 $0xFFFFE000  }
0xe2: {  	[tilespmem:s2], [sflag:$0x1] =	stream.linear.gather [hbm4b:s1+s2], $0x2000, $0x38;
	[tilespmem:$0x1A000] =	vst v63  }
0xe3: {  	s1 =	rddreg [dreg:$0x17]  }
0xe4: {  	[tilespmem:s21], [sflag:$0x1] =	stream.linear.gather [hbm4b:s1+s2], $0x2000, $0x38;
	[tilespmem:$0x1A000] =	vst v63  }
0xe5: {  	_ =	swait.ge [sflag:s23], $0x2000  }
0xe6: {  	[sflag:s23] =	ssyncset.done $0x0  }
0xe7: {  	[sflag:s23] =	ssyncadd.s32 $0xFFFFE000  }
0xe8: {  	_ =	swait.ge [sflag:s23], $0x2000  }
0xe9: {  	[sflag:s23] =	ssyncset.done $0x0  }
0xea: {  	[sflag:s23] =	ssyncadd.s32 $0xFFFFE000  }
0xeb: {  	[spmem:s10] =	stream.indirect.scatter.add.f32 [tilespmem:s25], [sflag:$0x3], $0x1, s24, s21, $0xb8;
	[tilespmem:$0x1A000] =	vst v63  }
0xec: {  	_ =	swait.ge [sflag:s28], $0x2000  }
0xed: {  	[sflag:s28] =	ssyncset.done $0x0  }
0xee: {  	s1 =	rddreg [dreg:$0x18];
	[sflag:s28] =	ssyncadd.s32 $0xFFFFE000  }
0xef: {  	[tilespmem:s24], [sflag:$0x2] =	stream.linear.gather [hbm4b:s1+s2], $0x2000, $0x38;
	[tilespmem:$0x1A000] =	vst v63  }
0xf0: {  	s1 =	rddreg [dreg:$0x19]  }
0xf1: {  	[tilespmem:s25], [sflag:$0x2] =	stream.linear.gather [hbm4b:s1+s2], $0x2000, $0x38;
	[tilespmem:$0x1A000] =	vst v63  }
0xf2: {  	_ =	swait.ge [sflag:s26], $0x2000  }
0xf3: {  	[sflag:s26] =	ssyncset.done $0x0  }
0xf4: {  	[sflag:s26] =	ssyncadd.s32 $0xFFFFE000  }
0xf5: {  	_ =	swait.ge [sflag:s26], $0x2000  }
0xf6: {  	[sflag:s26] =	ssyncset.done $0x0  }
0xf7: {  	[sflag:s26] =	ssyncadd.s32 $0xFFFFE000  }
0xf8: {  	[spmem:s10] =	stream.indirect.scatter.add.f32 [tilespmem:s21], [sflag:$0x3], $0x1, s2, s21, $0xb8;
	[tilespmem:$0x1A000] =	vst v63  }
0xf9: {  	_ =	swait.ge [sflag:s28], $0x2000  }
0xfa: {  	[sflag:s28] =	ssyncset.done $0x0  }
0xfb: {  	s1 =	rddreg [dreg:$0x1a];
	[sflag:s28] =	ssyncadd.s32 $0xFFFFE000  }
0xfc: {  	[tilespmem:s2], [sflag:$0x1] =	stream.linear.gather [hbm4b:s1+s2], $0x2000, $0x38;
	[tilespmem:$0x1A000] =	vst v63  }
0xfd: {  	s1 =	rddreg [dreg:$0x1b]  }
0xfe: {  	[tilespmem:s21], [sflag:$0x1] =	stream.linear.gather [hbm4b:s1+s2], $0x2000, $0x38;
	[tilespmem:$0x1A000] =	vst v63  }
0xff: {  	_ =	swait.ge [sflag:s23], $0x2000  }
0x100: {  	[sflag:s23] =	ssyncset.done $0x0  }
0x101: {  	[sflag:s23] =	ssyncadd.s32 $0xFFFFE000  }
0x102: {  	_ =	swait.ge [sflag:s23], $0x2000  }
0x103: {  	[sflag:s23] =	ssyncset.done $0x0  }
0x104: {  	[sflag:s23] =	ssyncadd.s32 $0xFFFFE000  }
0x105: {  	[spmem:s10] =	stream.indirect.scatter.add.f32 [tilespmem:s25], [sflag:$0x3], $0x1, s24, s21, $0xb8;
	[tilespmem:$0x1A000] =	vst v63  }
0x106: {  	_ =	swait.ge [sflag:s28], $0x2000  }
0x107: {  	[sflag:s28] =	ssyncset.done $0x0  }
0x108: {  	s1 =	rddreg [dreg:$0x1c];
	[sflag:s28] =	ssyncadd.s32 $0xFFFFE000  }
0x109: {  	[tilespmem:s24], [sflag:$0x2] =	stream.linear.gather [hbm4b:s1+s2], $0x2000, $0x38;
	[tilespmem:$0x1A000] =	vst v63  }
0x10a: {  	s1 =	rddreg [dreg:$0x1d]  }
0x10b: {  	[tilespmem:s25], [sflag:$0x2] =	stream.linear.gather [hbm4b:s1+s2], $0x2000, $0x38;
	[tilespmem:$0x1A000] =	vst v63  }
0x10c: {  	_ =	swait.ge [sflag:s26], $0x2000  }
0x10d: {  	[sflag:s26] =	ssyncset.done $0x0  }
0x10e: {  	[sflag:s26] =	ssyncadd.s32 $0xFFFFE000  }
0x10f: {  	_ =	swait.ge [sflag:s26], $0x2000  }
0x110: {  	[sflag:s26] =	ssyncset.done $0x0  }
0x111: {  	[sflag:s26] =	ssyncadd.s32 $0xFFFFE000  }
0x112: {  	[spmem:s10] =	stream.indirect.scatter.add.f32 [tilespmem:s21], [sflag:$0x3], $0x1, s2, s21, $0xb8;
	[tilespmem:$0x1A000] =	vst v63  }
0x113: {  	_ =	swait.ge [sflag:s28], $0x2000  }
0x114: {  	[sflag:s28] =	ssyncset.done $0x0  }
0x115: {  	s1 =	rddreg [dreg:$0x1e];
	[sflag:s28] =	ssyncadd.s32 $0xFFFFE000  }
0x116: {  	[tilespmem:s2], [sflag:$0x1] =	stream.linear.gather [hbm4b:s1+s2], $0x2000, $0x38;
	[tilespmem:$0x1A000] =	vst v63  }
0x117: {  	s1 =	rddreg [dreg:$0x1f]  }
0x118: {  	[tilespmem:s21], [sflag:$0x1] =	stream.linear.gather [hbm4b:s1+s2], $0x2000, $0x38;
	[tilespmem:$0x1A000] =	vst v63  }
0x119: {  	_ =	swait.ge [sflag:s23], $0x2000  }
0x11a: {  	[sflag:s23] =	ssyncset.done $0x0  }
0x11b: {  	[sflag:s23] =	ssyncadd.s32 $0xFFFFE000  }
0x11c: {  	_ =	swait.ge [sflag:s23], $0x2000  }
0x11d: {  	[sflag:s23] =	ssyncset.done $0x0  }
0x11e: {  	[sflag:s23] =	ssyncadd.s32 $0xFFFFE000  }
0x11f: {  	[spmem:s10] =	stream.indirect.scatter.add.f32 [tilespmem:s25], [sflag:$0x3], $0x1, s24, s21, $0xb8;
	[tilespmem:$0x1A000] =	vst v63  }
0x120: {  	_ =	swait.ge [sflag:s28], $0x2000  }
0x121: {  	s1 =	sld [smem:$0x7FC]  }
0x122: {  	[sflag:s28] =	ssyncset.done $0x0  }
0x123: {  	[sflag:s28] =	ssyncadd.s32 $0xFFFFE000  }
0x124: {  	[tilespmem:s24], [sflag:$0x2] =	stream.linear.gather [hbm4b:s1+s2], $0x2000, $0x38;
	[tilespmem:$0x1A000] =	vst v63  }
0x125: {  	s1 =	sld [smem:$0x7FD];
	_ =	sdelay $0x2  }
0x126: {  	[tilespmem:s25], [sflag:$0x2] =	stream.linear.gather [hbm4b:s1+s2], $0x2000, $0x38;
	[tilespmem:$0x1A000] =	vst v63  }
0x127: {  	_ =	swait.ge [sflag:s26], $0x2000  }
0x128: {  	[sflag:s26] =	ssyncset.done $0x0  }
0x129: {  	[sflag:s26] =	ssyncadd.s32 $0xFFFFE000  }
0x12a: {  	_ =	swait.ge [sflag:s26], $0x2000  }
0x12b: {  	[sflag:s26] =	ssyncset.done $0x0  }
0x12c: {  	[sflag:s26] =	ssyncadd.s32 $0xFFFFE000  }
0x12d: {  	[spmem:s10] =	stream.indirect.scatter.add.f32 [tilespmem:s21], [sflag:$0x3], $0x1, s2, s21, $0xb8;
	[tilespmem:$0x1A000] =	vst v63  }
0x12e: {  	_ =	swait.ge [sflag:s28], $0x2000  }
0x12f: {  	[sflag:s28] =	ssyncset.done $0x0  }
0x130: {  	[sflag:s28] =	ssyncadd.s32 $0xFFFFE000  }
0x131: {  	_ =	swait.ge [sflag:s23], $0x2000  }
0x132: {  	[sflag:s23] =	ssyncset.done $0x0  }
0x133: {  	[sflag:s23] =	ssyncadd.s32 $0xFFFFE000  }
0x134: {  	_ =	swait.ge [sflag:s23], $0x2000  }
0x135: {  	[sflag:s23] =	ssyncset.done $0x0  }
0x136: {  	[sflag:s23] =	ssyncadd.s32 $0xFFFFE000  }
0x137: {  	[spmem:s10] =	stream.indirect.scatter.add.f32 [tilespmem:s25], [sflag:$0x3], $0x1, s24, s21, $0xb8;
	[tilespmem:$0x1A000] =	vst v63  }
0x138: {  	_ =	swait.ge [sflag:s28], $0x2000  }
0x139: {  	[sflag:s28] =	ssyncset.done $0x0  }
0x13a: {  	[sflag:s28] =	ssyncadd.s32 $0xFFFFE000  }
0x13b: {  	[bflag:$0x0] =	sbarrier.arrive $0xFFFF  }
0x13c: {  	[tilespmem:s21], [sflag:$0x3] =	stream.linear.gather [spmem:s12], $0x2000, $0x38;
	[tilespmem:$0x1A000] =	vst v63  }
0x13d: {  	_ =	swait.ge [sflag:s28], $0x2000  }
0x13e: {  	[sflag:s28] =	ssyncset.done $0x0  }
0x13f: {  	[sflag:s28] =	ssyncadd.s32 $0xFFFFE000  }
0x140: {  	[hbm4b:s3+s29] =	stream.strided.scatter [tilespmem:s21], [sflag:$0x1], $0x2000, s30, s29, $0x38;
	[tilespmem:$0x1A000] =	vst v63  }
0x141: {  	_ = 	snop  }
0x142: {  	[tilespmem:s25], [sflag:$0x3] =	stream.linear.gather [spmem:s13], $0x2000, $0x38;
	[tilespmem:$0x1A000] =	vst v63  }
0x143: {  	_ =	swait.ge [sflag:s28], $0x2000  }
0x144: {  	[sflag:s28] =	ssyncset.done $0x0  }
0x145: {  	[sflag:s28] =	ssyncadd.s32 $0xFFFFE000  }
0x146: {  	[hbm4b:s4+s29] =	stream.strided.scatter [tilespmem:s25], [sflag:$0x2], $0x2000, s30, s29, $0x38;
	[tilespmem:$0x1A000] =	vst v63  }
0x147: {  	_ =	swait.ge [sflag:s26], $0x2000  }
0x148: {  	[sflag:s26] =	ssyncset.done $0x0  }
0x149: {  	[sflag:s26] =	ssyncadd.s32 $0xFFFFE000  }
0x14a: {  	[tilespmem:s21], [sflag:$0x3] =	stream.linear.gather [spmem:s14], $0x2000, $0x38;
	[tilespmem:$0x1A000] =	vst v63  }
0x14b: {  	_ =	swait.ge [sflag:s28], $0x2000  }
0x14c: {  	[sflag:s28] =	ssyncset.done $0x0  }
0x14d: {  	[sflag:s28] =	ssyncadd.s32 $0xFFFFE000  }
0x14e: {  	[hbm4b:s5+s29] =	stream.strided.scatter [tilespmem:s21], [sflag:$0x1], $0x2000, s30, s29, $0x38;
	[tilespmem:$0x1A000] =	vst v63  }
0x14f: {  	_ =	swait.ge [sflag:s23], $0x2000  }
0x150: {  	[sflag:s23] =	ssyncset.done $0x0  }
0x151: {  	[sflag:s23] =	ssyncadd.s32 $0xFFFFE000  }
0x152: {  	[tilespmem:s25], [sflag:$0x3] =	stream.linear.gather [spmem:s15], $0x2000, $0x38;
	[tilespmem:$0x1A000] =	vst v63  }
0x153: {  	_ =	swait.ge [sflag:s28], $0x2000  }
0x154: {  	[sflag:s28] =	ssyncset.done $0x0  }
0x155: {  	[sflag:s28] =	ssyncadd.s32 $0xFFFFE000  }
0x156: {  	[hbm4b:s6+s29] =	stream.strided.scatter [tilespmem:s25], [sflag:$0x2], $0x2000, s30, s29, $0x38;
	[tilespmem:$0x1A000] =	vst v63  }
0x157: {  	_ =	swait.ge [sflag:s26], $0x2000  }
0x158: {  	[sflag:s26] =	ssyncset.done $0x0  }
0x159: {  	[sflag:s26] =	ssyncadd.s32 $0xFFFFE000  }
0x15a: {  	[tilespmem:s21], [sflag:$0x3] =	stream.linear.gather [spmem:s16], $0x2000, $0x38;
	[tilespmem:$0x1A000] =	vst v63  }
0x15b: {  	_ =	swait.ge [sflag:s28], $0x2000  }
0x15c: {  	[sflag:s28] =	ssyncset.done $0x0  }
0x15d: {  	[sflag:s28] =	ssyncadd.s32 $0xFFFFE000  }
0x15e: {  	[hbm4b:s7+s29] =	stream.strided.scatter [tilespmem:s21], [sflag:$0x1], $0x2000, s30, s29, $0x38;
	[tilespmem:$0x1A000] =	vst v63  }
0x15f: {  	_ =	swait.ge [sflag:s23], $0x2000  }
0x160: {  	[sflag:s23] =	ssyncset.done $0x0  }
0x161: {  	[sflag:s23] =	ssyncadd.s32 $0xFFFFE000  }
0x162: {  	[tilespmem:s25], [sflag:$0x3] =	stream.linear.gather [spmem:s17], $0x2000, $0x38;
	[tilespmem:$0x1A000] =	vst v63  }
0x163: {  	_ =	swait.ge [sflag:s28], $0x2000  }
0x164: {  	[sflag:s28] =	ssyncset.done $0x0  }
0x165: {  	[sflag:s28] =	ssyncadd.s32 $0xFFFFE000  }
0x166: {  	[hbm4b:s8+s29] =	stream.strided.scatter [tilespmem:s25], [sflag:$0x2], $0x2000, s30, s29, $0x38;
	[tilespmem:$0x1A000] =	vst v63  }
0x167: {  	_ =	swait.ge [sflag:s26], $0x2000  }
0x168: {  	[sflag:s26] =	ssyncset.done $0x0  }
0x169: {  	[sflag:s26] =	ssyncadd.s32 $0xFFFFE000  }
0x16a: {  	[tilespmem:s21], [sflag:$0x3] =	stream.linear.gather [spmem:s18], $0x2000, $0x38;
	[tilespmem:$0x1A000] =	vst v63  }
0x16b: {  	_ =	swait.ge [sflag:s28], $0x2000  }
0x16c: {  	[sflag:s28] =	ssyncset.done $0x0  }
0x16d: {  	[sflag:s28] =	ssyncadd.s32 $0xFFFFE000  }
0x16e: {  	[hbm4b:s9+s29] =	stream.strided.scatter [tilespmem:s21], [sflag:$0x1], $0x2000, s30, s29, $0x38;
	[tilespmem:$0x1A000] =	vst v63  }
0x16f: {  	_ =	swait.ge [sflag:s23], $0x2000  }
0x170: {  	[sflag:s23] =	ssyncset.done $0x0  }
0x171: {  	[sflag:s23] =	ssyncadd.s32 $0xFFFFE000  }
0x172: {  	[tilespmem:s25], [sflag:$0x3] =	stream.linear.gather [spmem:s19], $0x2000, $0x38;
	[tilespmem:$0x1A000] =	vst v63  }
0x173: {  	_ =	swait.ge [sflag:s28], $0x2000  }
0x174: {  	[sflag:s28] =	ssyncset.done $0x0  }
0x175: {  	s31 =	sadd.s32 $0x1, s31;
	[sflag:s28] =	ssyncadd.s32 $0xFFFFE000  }
0x176: {  	[hbm4b:s11+s29] =	stream.strided.scatter [tilespmem:s25], [sflag:$0x2], $0x2000, s30, s29, $0x38;
	[tilespmem:$0x1A000] =	vst v63  }
0x177: {  	p0 =	sne.s32 s31, s20;
	_ =	swait.ge [sflag:s26], $0x2000  }
.Ltmp1:
0x178: {  	[sflag:s26] =	ssyncset.done $0x0;
	(pc) =	sbr.rel @p0 .LBB2_1-.Ltmp1, $4  }
0x179: {  	[sflag:s26] =	ssyncadd.s32 $0xFFFFE000  }
0x17a: {  	_ =	swait.ge [sflag:s23], $0x2000  }
0x17b: {  	[sflag:s23] =	ssyncset.done $0x0  }
0x17c: {  	[sflag:s23] =	ssyncadd.s32 $0xFFFFE000  }
0x17d: {  	_ =	sfence.sel $0x180000  }
0x17e: {  	[bflag:$0x0] =	sbarrier.arrive $0xFFFF  }
0x17f: {  	_ =	strace $0x90000047  }
0x180: {  	s0 =	stileid.u32;
	[bflag:$0x2] =	sbarrier.arrive $0xFFFF  }
0x181: {  	p0 =	sne.s32 s0, $0x0;
	s0 =	rddreg [dreg:$0x3]  }
0x182: {  	s0 =	sadd.s32 @!p0 $0x100000, s0  }
0x183: {  	[sflag:s0] =	ssyncadd.tile.s32 @!p0 $0x1;
	_ =	shalt  }
.Lfunc_end2:
_tile_overlayer_lowered:
.L_overlay_start_2:
0x184: {  	(tag) =	ssettag $0x2  }
0x185: {  	s0 =	rddreg [dreg:$0x0];
	s2 =	stileid.u32  }
0x186: {  	s1 =	rddreg [dreg:$0x1];
	p0 =	sne.s32 s2, $0x0  }
0x187: {  	s3 =	rddreg [dreg:$0x2];
	[bflag:$0x3] =	sbarrier.arrive $0xFFFF;
	s2 =	simm.s32 @!p0 $0x1C03  }
0x188: {  	[timem:s3], [sflag:s2] =	dma.local @!p0 [hbm:s0], s1  }
0x189: {  	s0 =	simm.s32 @!p0 $0x3  }
0x18a: {  	_ =	swait.ge @!p0 [sflag:s0], s1  }
0x18b: {  	s1 =	ssub.s32 @!p0 $0x0, s1;
	[sflag:s0] =	ssyncset.done @!p0 $0x0  }
0x18c: {  	[sflag:s0] =	ssyncadd.s32 @!p0 s1  }
0x18d: {  	[bflag:$0x3] =	sbarrier.arrive $0xFFFF  }
0x18e: {  	_ =	shalt  }

</sc_bundles>
